<compile_context>
chip_gen: v7x
topology: tpu7x:2x2x1
jax: 0.10.2.dev20260603
libtpu: 0.0.44.dev20260713+nightly
codegen_flags: <defaults>
</compile_context>

<pallas_src>
import functools

import jax
import jax.numpy as jnp
from jax import lax
from jax.experimental import pallas as pl
from jax.experimental.pallas import tpu as pltpu
from jax.experimental.pallas import tpu_sc as plsc

B = 4096
L = 200
D = 32
PAD = 0


_NC = 2
_NS = 16
_NW = _NC * _NS

_TOTAL = B * L
_PER_W = _TOTAL // _NW
_CHUNK = 1024
_N_CHUNKS = _PER_W // _CHUNK
_IDXW = 128
_GPC = _CHUNK // _IDXW


_BBLK = B // _CHUNK
_TASKS = L * _BBLK
_TASKS_PER_W = _TASKS // _NW

V = 1000000
_SEG = 1 << 18
_WBLK = 8192


def _wprep_body(w0, w1, w2, w3, out_ref):
    out_ref[:, 0:32] = w0[...].T
    out_ref[:, 32:64] = w1[...].T
    out_ref[:, 64:96] = w2[...].T
    out_ref[:, 96:128] = w3[...].T


def _tc_wprep(wt):
    nseg_blocks = _SEG // _WBLK
    max_blk = V // _WBLK
    specs = [
        pl.BlockSpec(
            (D, _WBLK),
            (lambda i, k=k: (0, jnp.minimum(k * nseg_blocks + i, max_blk))),
        )
        for k in range(4)
    ]
    return pl.pallas_call(
        _wprep_body,
        grid=(nseg_blocks,),
        in_specs=specs,
        out_specs=pl.BlockSpec((_WBLK, 128), lambda i: (i, 0)),
        out_shape=jax.ShapeDtypeStruct((_SEG, 128), jnp.float32),
    )(wt, wt, wt, wt)


def _sc_gather(idx2d, table):
    mesh = plsc.VectorSubcoreMesh(core_axis_name="c", subcore_axis_name="s")

    @functools.partial(
        pl.kernel,
        mesh=mesh,
        out_type=jax.ShapeDtypeStruct((L, B, D), jnp.float32),
        scratch_types=[
            pltpu.VMEM((_GPC, _IDXW), jnp.int32),
            pltpu.VMEM((_GPC, _IDXW), jnp.int32),
            pltpu.VMEM((_CHUNK, D), jnp.float32),
            pltpu.SemaphoreType.DMA,
        ],
        compiler_params=pltpu.CompilerParams(use_tc_tiling_on_sc=False),
    )
    def k(idx_hbm, w_hbm, out_hbm, idx_v, idx_r, rows_v, sem):
        wid = lax.axis_index("s") * _NC + lax.axis_index("c")

        def body(i, carry):
            t = wid * _TASKS_PER_W + i
            l = t // _BBLK
            bb = t % _BBLK
            roff = l * (B // _IDXW) + bb * _GPC
            pltpu.sync_copy(idx_hbm.at[pl.ds(roff, _GPC)], idx_v)
            for j in range(_GPC):
                for c0 in range(0, _IDXW, 16):
                    v = idx_v[j, pl.ds(c0, 16)]
                    idx_r[j, pl.ds(c0, 16)] = (
                        ((v & (_SEG - 1)) << 2) | jax.lax.shift_right_logical(v, 18)
                    )
            for j in range(_GPC):
                pltpu.async_copy(
                    w_hbm.at[idx_r.at[j]],
                    rows_v.at[pl.ds(j * _IDXW, _IDXW)],
                    sem,
                )
            for j in range(_GPC):
                pltpu.make_async_copy(
                    w_hbm.at[idx_r.at[j]],
                    rows_v.at[pl.ds(j * _IDXW, _IDXW)],
                    sem,
                ).wait()
            pltpu.sync_copy(rows_v, out_hbm.at[l, pl.ds(bb * _CHUNK, _CHUNK)])
            return carry

        lax.fori_loop(0, _TASKS_PER_W, body, 0)

    return k(idx2d, table)




def _mask_body(wt_ref, out_ref, nz8_ref):
    i = pl.program_id(0)

    @pl.when(i == 0)
    def _():
        nz8_ref[...] = (wt_ref[...] != PAD).astype(jnp.int8)

    jcol = lax.broadcasted_iota(jnp.int32, (L, 1), 0)
    nz8 = nz8_ref[...]
    for t in range(_MBB):
        out_ref[t] = jnp.where(jcol <= i * _MBB + t, nz8, 0)


_MBB = 4


def _mask_t8(words_t):
    return pl.pallas_call(
        _mask_body,
        grid=(L // _MBB,),
        in_specs=[pl.BlockSpec((L, B), lambda i: (0, 0))],
        out_specs=pl.BlockSpec((_MBB, L, B), lambda i: (i, 0, 0)),
        out_shape=jax.ShapeDtypeStruct((L, L, B), jnp.int8),
        scratch_shapes=[pltpu.VMEM((L, B), jnp.int8)],
    )(words_t)


def kernel(batch_words, W):
    words_t = batch_words.T
    idx2d = words_t.reshape(_TOTAL // _IDXW, _IDXW)
    w_lin = _tc_wprep(W.T).reshape(4 * _SEG, D)
    emb = _sc_gather(idx2d, w_lin).transpose(1, 0, 2)
    mask_t = _mask_t8(words_t) != 0
    masks = jnp.transpose(mask_t, (2, 0, 1))
    return emb, masks

# --- scband reference (transcript-rebuilt; emitter-appended) ---
"""Pipeline reference for scband-word-embedding-60198261620965 (READ-ONLY COPY).

The authoritative reference and input builder live on the scoring server;
editing this copy changes nothing except your own understanding.
"""

import jax, jax.numpy as jnp
import numpy as np

N_WORDS = 1000000
EMBED_DIM = 32
PADDING_IDX = 0
B = 4096
L = 200


def setup_inputs(seed: int = 0) -> dict:
    key = jax.random.key(seed)
    k_idx, k_w = jax.random.split(key)
    batch_words = jax.random.randint(k_idx, (B, L), 0, N_WORDS)
    W = jax.random.normal(k_w, (N_WORDS, EMBED_DIM), dtype=jnp.float32)
    # torch nn.Embedding zeros the padding_idx row at init
    W = W.at[PADDING_IDX].set(0.0)
    return {"batch_words": batch_words, "W": W}


def reference(batch_words, W):
    # batch_words arrives as a dense [B, L] int tensor (the list branch only
    # pads ragged inputs to this same dense form, padding with 0).
    embeddings = jnp.take(W, batch_words, axis=0)  # [B, L, D]
    # AttentionMask().generate_disable_next_step_and_padding:
    # causal (disable attending to next/future steps) AND non-padding keys.
    seq_len = batch_words.shape[1]
    causal = jnp.tril(jnp.ones((seq_len, seq_len), dtype=bool))  # [L, L]
    not_pad = batch_words != PADDING_IDX  # [B, L]
    attention_masks = causal[None, :, :] & not_pad[:, None, :]  # [B, L, L]
    return (embeddings, attention_masks)

if __name__ == "__main__":
    import jax
    _d = setup_inputs()
    print(jax.jit(kernel)(*tuple(_d.values())))

</pallas_src>

<mosaic_0001>
#map = affine_map<(d0, d1) -> (0, 0)>
#map1 = affine_map<(d0, d1) -> (0, 0, 0)>
module attributes {stable_mosaic.version = 14 : i64} {
  func.func @k(%arg0: i32, %arg1: i32, %arg2: memref<6400x128xi32, #tpu.memory_space<hbm>>, %arg3: memref<1048576x32xf32, #tpu.memory_space<hbm>>, %arg4: memref<200x4096x32xf32, #tpu.memory_space<hbm>>, %arg5: memref<8x128xi32, #tpu.memory_space<vmem>>, %arg6: memref<8x128xi32, #tpu.memory_space<vmem>>, %arg7: memref<1024x32xf32, #tpu.memory_space<vmem>>, %arg8: memref<!tpu.dma_semaphore, #tpu.memory_space<semaphore_mem>>) attributes {dimension_semantics = [#tpu.dimension_semantics<core_parallel>, #tpu.dimension_semantics<subcore_parallel>], iteration_bounds = array<i64: 2, 16>, scalar_prefetch = 0 : i64, scratch_operands = 4 : i64, tpu.core_type = #tpu.core_type<sc_vector_subcore>, window_params = [{transform_indices = #map}, {transform_indices = #map}, {transform_indices = #map1}]} {
    %mul3A = arith.constant 2 : i32
    %mul3A_0 = arith.muli %arg1, %mul3A : i32
    %add3A = arith.addi %mul3A_0, %arg0 : i32
    %scan3A = arith.constant 0 : i32
    %scan3A_1 = arith.constant 0 : i32
    %scan3A_2 = arith.constant 25 : i32
    %scan3A_3 = arith.addi %scan3A_1, %scan3A_2 : i32
    %scan3A_4 = arith.constant 1 : i32
    scf.for %scan3A_6 = %scan3A_1 to %scan3A_3 step %scan3A_4  : i32 {
      %mul3A_7 = arith.constant 25 : i32
      %mul3A_8 = arith.muli %add3A, %mul3A_7 : i32
      %add3A_9 = arith.addi %mul3A_8, %scan3A_6 : i32
      %jit3A = arith.constant 4 : i32
      %div3A = arith.divsi %add3A_9, %jit3A : i32
      %sign3A = arith.constant 0 : i32
      %sign3A_10 = arith.cmpi sgt, %add3A_9, %sign3A : i32
      %sign3A_11 = arith.extui %sign3A_10 : i1 to i32
      %sign3A_12 = arith.constant 0 : i32
      %sign3A_13 = arith.cmpi slt, %add3A_9, %sign3A_12 : i32
      %sign3A_14 = arith.extui %sign3A_13 : i1 to i32
      %sign3A_15 = arith.subi %sign3A_11, %sign3A_14 : i32
      %sign3A_16 = arith.constant 0 : i32
      %sign3A_17 = arith.cmpi sgt, %jit3A, %sign3A_16 : i32
      %sign3A_18 = arith.extui %sign3A_17 : i1 to i32
      %sign3A_19 = arith.constant 0 : i32
      %sign3A_20 = arith.cmpi slt, %jit3A, %sign3A_19 : i32
      %sign3A_21 = arith.extui %sign3A_20 : i1 to i32
      %sign3A_22 = arith.subi %sign3A_18, %sign3A_21 : i32
      %ne3A = arith.cmpi ne, %sign3A_15, %sign3A_22 : i32
      %rem3A = arith.remsi %add3A_9, %jit3A : i32
      %ne3A_23 = arith.constant 0 : i32
      %ne3A_24 = arith.cmpi ne, %rem3A, %ne3A_23 : i32
      %and3A = arith.andi %ne3A, %ne3A_24 : i1
      %sub3A = arith.constant 1 : i32
      %sub3A_25 = arith.subi %div3A, %sub3A : i32
      %select_n3A = arith.select %and3A, %sub3A_25, %div3A : i32
      %jit3A_26 = arith.constant 4 : i32
      %eq3A = arith.constant 0 : i32
      %eq3A_27 = arith.cmpi eq, %jit3A_26, %eq3A : i32
      %jit3A_28 = arith.constant 1 : i32
      %select_n3A_29 = arith.select %eq3A_27, %jit3A_28, %jit3A_26 : i32
      %rem3A_30 = arith.remsi %add3A_9, %select_n3A_29 : i32
      %ne3A_31 = arith.constant 0 : i32
      %ne3A_32 = arith.cmpi ne, %rem3A_30, %ne3A_31 : i32
      %lt3A = arith.constant 0 : i32
      %lt3A_33 = arith.cmpi slt, %rem3A_30, %lt3A : i32
      %lt3A_34 = arith.constant 0 : i32
      %lt3A_35 = arith.cmpi slt, %select_n3A_29, %lt3A_34 : i32
      %ne3A_36 = arith.xori %lt3A_33, %lt3A_35 : i1
      %and3A_37 = arith.andi %ne3A_36, %ne3A_32 : i1
      %add3A_38 = arith.addi %rem3A_30, %select_n3A_29 : i32
      %select_n3A_39 = arith.select %and3A_37, %add3A_38, %rem3A_30 : i32
      %mul3A_40 = arith.constant 32 : i32
      %mul3A_41 = arith.muli %select_n3A, %mul3A_40 : i32
      %mul3A_42 = arith.constant 8 : i32
      %mul3A_43 = arith.muli %select_n3A_39, %mul3A_42 : i32
      %add3A_44 = arith.addi %mul3A_41, %mul3A_43 : i32
      "tpu.region"() ({
        %run_scoped3A = tpu.sem_alloc : memref<!tpu.dma_semaphore, #tpu.memory_space<semaphore_mem>>
        %dma_start3A_1544 = arith.constant 0 : i32
        %dma_start3A_1545 = tpu.memref_slice %arg2[%add3A_44, %dma_start3A_1544] : memref<6400x128xi32, #tpu.memory_space<hbm>> -> memref<8x128xi32, #tpu.memory_space<hbm>>
        %dma_start3A_1546 = arith.constant 0 : i32
        %dma_start3A_1547 = tpu.memref_slice %arg2[%add3A_44, %dma_start3A_1546] : memref<6400x128xi32, #tpu.memory_space<hbm>> -> memref<8x128xi32, #tpu.memory_space<hbm>>
        tpu.enqueue_dma source(%dma_start3A_1547 : memref<8x128xi32, #tpu.memory_space<hbm>>) target(%arg5 : memref<8x128xi32, #tpu.memory_space<vmem>>) target_semaphore(%run_scoped3A : memref<!tpu.dma_semaphore, #tpu.memory_space<semaphore_mem>>)
        %dma_wait3A_1548 = arith.constant 0 : i32
        %dma_wait3A_1549 = tpu.memref_slice %arg2[%add3A_44, %dma_wait3A_1548] : memref<6400x128xi32, #tpu.memory_space<hbm>> -> memref<8x128xi32, #tpu.memory_space<hbm>>
        %dma_wait3A_1550 = arith.constant 0 : i32
        %dma_wait3A_1551 = tpu.memref_slice %arg2[%add3A_44, %dma_wait3A_1550] : memref<6400x128xi32, #tpu.memory_space<hbm>> -> memref<8x128xi32, #tpu.memory_space<hbm>>
        tpu.wait_dma2 semaphore(%run_scoped3A : memref<!tpu.dma_semaphore, #tpu.memory_space<semaphore_mem>>) src(%dma_wait3A_1551 : memref<8x128xi32, #tpu.memory_space<hbm>>) dst(%arg5 : memref<8x128xi32, #tpu.memory_space<vmem>>)
        tpu.yield
      }) : () -> ()
      %get3A = arith.constant 0 : i32
      %get3A_45 = arith.index_cast %get3A : i32 to index
      %get3A_46 = arith.constant 0 : index
      %get3A_47 = tpu.vector_load %arg5[%get3A_45, %get3A_46] {strides = array<i32>} : memref<8x128xi32, #tpu.memory_space<vmem>>, vector<1x16xi32>,
      %get3A_48 = vector.shape_cast %get3A_47 : vector<1x16xi32> to vector<16xi32>
      %and3A_49 = arith.constant 262143 : i32
      %and3A_50 = vector.broadcast %and3A_49 : i32 to vector<16xi32>
      %and3A_51 = arith.andi %get3A_48, %and3A_50 : vector<16xi32>
      %shift_left3A = arith.constant 2 : i32
      %shift_left3A_52 = vector.broadcast %shift_left3A : i32 to vector<16xi32>
      %shift_left3A_53 = arith.shli %and3A_51, %shift_left3A_52 : vector<16xi32>
      %shift_right_logical3A = arith.constant 18 : i32
      %shift_right_logical3A_54 = vector.broadcast %shift_right_logical3A : i32 to vector<16xi32>
      %shift_right_logical3A_55 = arith.shrui %get3A_48, %shift_right_logical3A_54 : vector<16xi32>
      %or3A = arith.ori %shift_left3A_53, %shift_right_logical3A_55 : vector<16xi32>
      %swap3A = arith.constant 0 : i32
      %swap3A_56 = arith.index_cast %swap3A : i32 to index
      %swap3A_57 = arith.constant 0 : index
      %swap3A_58 = tpu.vector_load %arg6[%swap3A_56, %swap3A_57] {strides = array<i32>} : memref<8x128xi32, #tpu.memory_space<vmem>>, vector<1x16xi32>,
      %swap3A_59 = vector.shape_cast %swap3A_58 : vector<1x16xi32> to vector<16xi32>
      %swap3A_60 = vector.shape_cast %or3A : vector<16xi32> to vector<1x16xi32>
      tpu.vector_store %arg6[%swap3A_56, %swap3A_57], %swap3A_60 {strides = array<i32>} : memref<8x128xi32, #tpu.memory_space<vmem>>, vector<1x16xi32>,
      %get3A_61 = arith.constant 0 : i32
      %get3A_62 = arith.index_cast %get3A_61 : i32 to index
      %get3A_63 = arith.constant 16 : index
      %get3A_64 = tpu.vector_load %arg5[%get3A_62, %get3A_63] {strides = array<i32>} : memref<8x128xi32, #tpu.memory_space<vmem>>, vector<1x16xi32>,
      %get3A_65 = vector.shape_cast %get3A_64 : vector<1x16xi32> to vector<16xi32>
      %and3A_66 = arith.constant 262143 : i32
      %and3A_67 = vector.broadcast %and3A_66 : i32 to vector<16xi32>
      %and3A_68 = arith.andi %get3A_65, %and3A_67 : vector<16xi32>
      %shift_left3A_69 = arith.constant 2 : i32
      %shift_left3A_70 = vector.broadcast %shift_left3A_69 : i32 to vector<16xi32>
      %shift_left3A_71 = arith.shli %and3A_68, %shift_left3A_70 : vector<16xi32>
      %shift_right_logical3A_72 = arith.constant 18 : i32
      %shift_right_logical3A_73 = vector.broadcast %shift_right_logical3A_72 : i32 to vector<16xi32>
      %shift_right_logical3A_74 = arith.shrui %get3A_65, %shift_right_logical3A_73 : vector<16xi32>
      %or3A_75 = arith.ori %shift_left3A_71, %shift_right_logical3A_74 : vector<16xi32>
      %swap3A_76 = arith.constant 0 : i32
      %swap3A_77 = arith.index_cast %swap3A_76 : i32 to index
      %swap3A_78 = arith.constant 16 : index
      %swap3A_79 = tpu.vector_load %arg6[%swap3A_77, %swap3A_78] {strides = array<i32>} : memref<8x128xi32, #tpu.memory_space<vmem>>, vector<1x16xi32>,
      %swap3A_80 = vector.shape_cast %swap3A_79 : vector<1x16xi32> to vector<16xi32>
      %swap3A_81 = vector.shape_cast %or3A_75 : vector<16xi32> to vector<1x16xi32>
      tpu.vector_store %arg6[%swap3A_77, %swap3A_78], %swap3A_81 {strides = array<i32>} : memref<8x128xi32, #tpu.memory_space<vmem>>, vector<1x16xi32>,
      %get3A_82 = arith.constant 0 : i32
      %get3A_83 = arith.index_cast %get3A_82 : i32 to index
      %get3A_84 = arith.constant 32 : index
      %get3A_85 = tpu.vector_load %arg5[%get3A_83, %get3A_84] {strides = array<i32>} : memref<8x128xi32, #tpu.memory_space<vmem>>, vector<1x16xi32>,
      %get3A_86 = vector.shape_cast %get3A_85 : vector<1x16xi32> to vector<16xi32>
      %and3A_87 = arith.constant 262143 : i32
      %and3A_88 = vector.broadcast %and3A_87 : i32 to vector<16xi32>
      %and3A_89 = arith.andi %get3A_86, %and3A_88 : vector<16xi32>
      %shift_left3A_90 = arith.constant 2 : i32
      %shift_left3A_91 = vector.broadcast %shift_left3A_90 : i32 to vector<16xi32>
      %shift_left3A_92 = arith.shli %and3A_89, %shift_left3A_91 : vector<16xi32>
      %shift_right_logical3A_93 = arith.constant 18 : i32
      %shift_right_logical3A_94 = vector.broadcast %shift_right_logical3A_93 : i32 to vector<16xi32>
      %shift_right_logical3A_95 = arith.shrui %get3A_86, %shift_right_logical3A_94 : vector<16xi32>
      %or3A_96 = arith.ori %shift_left3A_92, %shift_right_logical3A_95 : vector<16xi32>
      %swap3A_97 = arith.constant 0 : i32
      %swap3A_98 = arith.index_cast %swap3A_97 : i32 to index
      %swap3A_99 = arith.constant 32 : index
      %swap3A_100 = tpu.vector_load %arg6[%swap3A_98, %swap3A_99] {strides = array<i32>} : memref<8x128xi32, #tpu.memory_space<vmem>>, vector<1x16xi32>,
      %swap3A_101 = vector.shape_cast %swap3A_100 : vector<1x16xi32> to vector<16xi32>
      %swap3A_102 = vector.shape_cast %or3A_96 : vector<16xi32> to vector<1x16xi32>
      tpu.vector_store %arg6[%swap3A_98, %swap3A_99], %swap3A_102 {strides = array<i32>} : memref<8x128xi32, #tpu.memory_space<vmem>>, vector<1x16xi32>,
      %get3A_103 = arith.constant 0 : i32
      %get3A_104 = arith.index_cast %get3A_103 : i32 to index
      %get3A_105 = arith.constant 48 : index
      %get3A_106 = tpu.vector_load %arg5[%get3A_104, %get3A_105] {strides = array<i32>} : memref<8x128xi32, #tpu.memory_space<vmem>>, vector<1x16xi32>,
      %get3A_107 = vector.shape_cast %get3A_106 : vector<1x16xi32> to vector<16xi32>
      %and3A_108 = arith.constant 262143 : i32
      %and3A_109 = vector.broadcast %and3A_108 : i32 to vector<16xi32>
      %and3A_110 = arith.andi %get3A_107, %and3A_109 : vector<16xi32>
      %shift_left3A_111 = arith.constant 2 : i32
      %shift_left3A_112 = vector.broadcast %shift_left3A_111 : i32 to vector<16xi32>
      %shift_left3A_113 = arith.shli %and3A_110, %shift_left3A_112 : vector<16xi32>
      %shift_right_logical3A_114 = arith.constant 18 : i32
      %shift_right_logical3A_115 = vector.broadcast %shift_right_logical3A_114 : i32 to vector<16xi32>
      %shift_right_logical3A_116 = arith.shrui %get3A_107, %shift_right_logical3A_115 : vector<16xi32>
      %or3A_117 = arith.ori %shift_left3A_113, %shift_right_logical3A_116 : vector<16xi32>
      %swap3A_118 = arith.constant 0 : i32
      %swap3A_119 = arith.index_cast %swap3A_118 : i32 to index
      %swap3A_120 = arith.constant 48 : index
      %swap3A_121 = tpu.vector_load %arg6[%swap3A_119, %swap3A_120] {strides = array<i32>} : memref<8x128xi32, #tpu.memory_space<vmem>>, vector<1x16xi32>,
      %swap3A_122 = vector.shape_cast %swap3A_121 : vector<1x16xi32> to vector<16xi32>
      %swap3A_123 = vector.shape_cast %or3A_117 : vector<16xi32> to vector<1x16xi32>
      tpu.vector_store %arg6[%swap3A_119, %swap3A_120], %swap3A_123 {strides = array<i32>} : memref<8x128xi32, #tpu.memory_space<vmem>>, vector<1x16xi32>,
      %get3A_124 = arith.constant 0 : i32
      %get3A_125 = arith.index_cast %get3A_124 : i32 to index
      %get3A_126 = arith.constant 64 : index
      %get3A_127 = tpu.vector_load %arg5[%get3A_125, %get3A_126] {strides = array<i32>} : memref<8x128xi32, #tpu.memory_space<vmem>>, vector<1x16xi32>,
      %get3A_128 = vector.shape_cast %get3A_127 : vector<1x16xi32> to vector<16xi32>
      %and3A_129 = arith.constant 262143 : i32
      %and3A_130 = vector.broadcast %and3A_129 : i32 to vector<16xi32>
      %and3A_131 = arith.andi %get3A_128, %and3A_130 : vector<16xi32>
      %shift_left3A_132 = arith.constant 2 : i32
      %shift_left3A_133 = vector.broadcast %shift_left3A_132 : i32 to vector<16xi32>
      %shift_left3A_134 = arith.shli %and3A_131, %shift_left3A_133 : vector<16xi32>
      %shift_right_logical3A_135 = arith.constant 18 : i32
      %shift_right_logical3A_136 = vector.broadcast %shift_right_logical3A_135 : i32 to vector<16xi32>
      %shift_right_logical3A_137 = arith.shrui %get3A_128, %shift_right_logical3A_136 : vector<16xi32>
      %or3A_138 = arith.ori %shift_left3A_134, %shift_right_logical3A_137 : vector<16xi32>
      %swap3A_139 = arith.constant 0 : i32
      %swap3A_140 = arith.index_cast %swap3A_139 : i32 to index
      %swap3A_141 = arith.constant 64 : index
      %swap3A_142 = tpu.vector_load %arg6[%swap3A_140, %swap3A_141] {strides = array<i32>} : memref<8x128xi32, #tpu.memory_space<vmem>>, vector<1x16xi32>,
      %swap3A_143 = vector.shape_cast %swap3A_142 : vector<1x16xi32> to vector<16xi32>
      %swap3A_144 = vector.shape_cast %or3A_138 : vector<16xi32> to vector<1x16xi32>
      tpu.vector_store %arg6[%swap3A_140, %swap3A_141], %swap3A_144 {strides = array<i32>} : memref<8x128xi32, #tpu.memory_space<vmem>>, vector<1x16xi32>,
      %get3A_145 = arith.constant 0 : i32
      %get3A_146 = arith.index_cast %get3A_145 : i32 to index
      %get3A_147 = arith.constant 80 : index
      %get3A_148 = tpu.vector_load %arg5[%get3A_146, %get3A_147] {strides = array<i32>} : memref<8x128xi32, #tpu.memory_space<vmem>>, vector<1x16xi32>,
      %get3A_149 = vector.shape_cast %get3A_148 : vector<1x16xi32> to vector<16xi32>
      %and3A_150 = arith.constant 262143 : i32
      %and3A_151 = vector.broadcast %and3A_150 : i32 to vector<16xi32>
      %and3A_152 = arith.andi %get3A_149, %and3A_151 : vector<16xi32>
      %shift_left3A_153 = arith.constant 2 : i32
      %shift_left3A_154 = vector.broadcast %shift_left3A_153 : i32 to vector<16xi32>
      %shift_left3A_155 = arith.shli %and3A_152, %shift_left3A_154 : vector<16xi32>
      %shift_right_logical3A_156 = arith.constant 18 : i32
      %shift_right_logical3A_157 = vector.broadcast %shift_right_logical3A_156 : i32 to vector<16xi32>
      %shift_right_logical3A_158 = arith.shrui %get3A_149, %shift_right_logical3A_157 : vector<16xi32>
      %or3A_159 = arith.ori %shift_left3A_155, %shift_right_logical3A_158 : vector<16xi32>
      %swap3A_160 = arith.constant 0 : i32
      %swap3A_161 = arith.index_cast %swap3A_160 : i32 to index
      %swap3A_162 = arith.constant 80 : index
      %swap3A_163 = tpu.vector_load %arg6[%swap3A_161, %swap3A_162] {strides = array<i32>} : memref<8x128xi32, #tpu.memory_space<vmem>>, vector<1x16xi32>,
      %swap3A_164 = vector.shape_cast %swap3A_163 : vector<1x16xi32> to vector<16xi32>
      %swap3A_165 = vector.shape_cast %or3A_159 : vector<16xi32> to vector<1x16xi32>
      tpu.vector_store %arg6[%swap3A_161, %swap3A_162], %swap3A_165 {strides = array<i32>} : memref<8x128xi32, #tpu.memory_space<vmem>>, vector<1x16xi32>,
      %get3A_166 = arith.constant 0 : i32
      %get3A_167 = arith.index_cast %get3A_166 : i32 to index
      %get3A_168 = arith.constant 96 : index
      %get3A_169 = tpu.vector_load %arg5[%get3A_167, %get3A_168] {strides = array<i32>} : memref<8x128xi32, #tpu.memory_space<vmem>>, vector<1x16xi32>,
      %get3A_170 = vector.shape_cast %get3A_169 : vector<1x16xi32> to vector<16xi32>
      %and3A_171 = arith.constant 262143 : i32
      %and3A_172 = vector.broadcast %and3A_171 : i32 to vector<16xi32>
      %and3A_173 = arith.andi %get3A_170, %and3A_172 : vector<16xi32>
      %shift_left3A_174 = arith.constant 2 : i32
      %shift_left3A_175 = vector.broadcast %shift_left3A_174 : i32 to vector<16xi32>
      %shift_left3A_176 = arith.shli %and3A_173, %shift_left3A_175 : vector<16xi32>
      %shift_right_logical3A_177 = arith.constant 18 : i32
      %shift_right_logical3A_178 = vector.broadcast %shift_right_logical3A_177 : i32 to vector<16xi32>
      %shift_right_logical3A_179 = arith.shrui %get3A_170, %shift_right_logical3A_178 : vector<16xi32>
      %or3A_180 = arith.ori %shift_left3A_176, %shift_right_logical3A_179 : vector<16xi32>
      %swap3A_181 = arith.constant 0 : i32
      %swap3A_182 = arith.index_cast %swap3A_181 : i32 to index
      %swap3A_183 = arith.constant 96 : index
      %swap3A_184 = tpu.vector_load %arg6[%swap3A_182, %swap3A_183] {strides = array<i32>} : memref<8x128xi32, #tpu.memory_space<vmem>>, vector<1x16xi32>,
      %swap3A_185 = vector.shape_cast %swap3A_184 : vector<1x16xi32> to vector<16xi32>
      %swap3A_186 = vector.shape_cast %or3A_180 : vector<16xi32> to vector<1x16xi32>
      tpu.vector_store %arg6[%swap3A_182, %swap3A_183], %swap3A_186 {strides = array<i32>} : memref<8x128xi32, #tpu.memory_space<vmem>>, vector<1x16xi32>,
      %get3A_187 = arith.constant 0 : i32
      %get3A_188 = arith.index_cast %get3A_187 : i32 to index
      %get3A_189 = arith.constant 112 : index
      %get3A_190 = tpu.vector_load %arg5[%get3A_188, %get3A_189] {strides = array<i32>} : memref<8x128xi32, #tpu.memory_space<vmem>>, vector<1x16xi32>,
      %get3A_191 = vector.shape_cast %get3A_190 : vector<1x16xi32> to vector<16xi32>
      %and3A_192 = arith.constant 262143 : i32
      %and3A_193 = vector.broadcast %and3A_192 : i32 to vector<16xi32>
      %and3A_194 = arith.andi %get3A_191, %and3A_193 : vector<16xi32>
      %shift_left3A_195 = arith.constant 2 : i32
      %shift_left3A_196 = vector.broadcast %shift_left3A_195 : i32 to vector<16xi32>
      %shift_left3A_197 = arith.shli %and3A_194, %shift_left3A_196 : vector<16xi32>
      %shift_right_logical3A_198 = arith.constant 18 : i32
      %shift_right_logical3A_199 = vector.broadcast %shift_right_logical3A_198 : i32 to vector<16xi32>
      %shift_right_logical3A_200 = arith.shrui %get3A_191, %shift_right_logical3A_199 : vector<16xi32>
      %or3A_201 = arith.ori %shift_left3A_197, %shift_right_logical3A_200 : vector<16xi32>
      %swap3A_202 = arith.constant 0 : i32
      %swap3A_203 = arith.index_cast %swap3A_202 : i32 to index
      %swap3A_204 = arith.constant 112 : index
      %swap3A_205 = tpu.vector_load %arg6[%swap3A_203, %swap3A_204] {strides = array<i32>} : memref<8x128xi32, #tpu.memory_space<vmem>>, vector<1x16xi32>,
      %swap3A_206 = vector.shape_cast %swap3A_205 : vector<1x16xi32> to vector<16xi32>
      %swap3A_207 = vector.shape_cast %or3A_201 : vector<16xi32> to vector<1x16xi32>
      tpu.vector_store %arg6[%swap3A_203, %swap3A_204], %swap3A_207 {strides = array<i32>} : memref<8x128xi32, #tpu.memory_space<vmem>>, vector<1x16xi32>,
      %get3A_208 = arith.constant 1 : i32
      %get3A_209 = arith.index_cast %get3A_208 : i32 to index
      %get3A_210 = arith.constant 0 : index
      %get3A_211 = tpu.vector_load %arg5[%get3A_209, %get3A_210] {strides = array<i32>} : memref<8x128xi32, #tpu.memory_space<vmem>>, vector<1x16xi32>,
      %get3A_212 = vector.shape_cast %get3A_211 : vector<1x16xi32> to vector<16xi32>
      %and3A_213 = arith.constant 262143 : i32
      %and3A_214 = vector.broadcast %and3A_213 : i32 to vector<16xi32>
      %and3A_215 = arith.andi %get3A_212, %and3A_214 : vector<16xi32>
      %shift_left3A_216 = arith.constant 2 : i32
      %shift_left3A_217 = vector.broadcast %shift_left3A_216 : i32 to vector<16xi32>
      %shift_left3A_218 = arith.shli %and3A_215, %shift_left3A_217 : vector<16xi32>
      %shift_right_logical3A_219 = arith.constant 18 : i32
      %shift_right_logical3A_220 = vector.broadcast %shift_right_logical3A_219 : i32 to vector<16xi32>
      %shift_right_logical3A_221 = arith.shrui %get3A_212, %shift_right_logical3A_220 : vector<16xi32>
      %or3A_222 = arith.ori %shift_left3A_218, %shift_right_logical3A_221 : vector<16xi32>
      %swap3A_223 = arith.constant 1 : i32
      %swap3A_224 = arith.index_cast %swap3A_223 : i32 to index
      %swap3A_225 = arith.constant 0 : index
      %swap3A_226 = tpu.vector_load %arg6[%swap3A_224, %swap3A_225] {strides = array<i32>} : memref<8x128xi32, #tpu.memory_space<vmem>>, vector<1x16xi32>,
      %swap3A_227 = vector.shape_cast %swap3A_226 : vector<1x16xi32> to vector<16xi32>
      %swap3A_228 = vector.shape_cast %or3A_222 : vector<16xi32> to vector<1x16xi32>
      tpu.vector_store %arg6[%swap3A_224, %swap3A_225], %swap3A_228 {strides = array<i32>} : memref<8x128xi32, #tpu.memory_space<vmem>>, vector<1x16xi32>,
      %get3A_229 = arith.constant 1 : i32
      %get3A_230 = arith.index_cast %get3A_229 : i32 to index
      %get3A_231 = arith.constant 16 : index
      %get3A_232 = tpu.vector_load %arg5[%get3A_230, %get3A_231] {strides = array<i32>} : memref<8x128xi32, #tpu.memory_space<vmem>>, vector<1x16xi32>,
      %get3A_233 = vector.shape_cast %get3A_232 : vector<1x16xi32> to vector<16xi32>
      %and3A_234 = arith.constant 262143 : i32
      %and3A_235 = vector.broadcast %and3A_234 : i32 to vector<16xi32>
      %and3A_236 = arith.andi %get3A_233, %and3A_235 : vector<16xi32>
      %shift_left3A_237 = arith.constant 2 : i32
      %shift_left3A_238 = vector.broadcast %shift_left3A_237 : i32 to vector<16xi32>
      %shift_left3A_239 = arith.shli %and3A_236, %shift_left3A_238 : vector<16xi32>
      %shift_right_logical3A_240 = arith.constant 18 : i32
      %shift_right_logical3A_241 = vector.broadcast %shift_right_logical3A_240 : i32 to vector<16xi32>
      %shift_right_logical3A_242 = arith.shrui %get3A_233, %shift_right_logical3A_241 : vector<16xi32>
      %or3A_243 = arith.ori %shift_left3A_239, %shift_right_logical3A_242 : vector<16xi32>
      %swap3A_244 = arith.constant 1 : i32
      %swap3A_245 = arith.index_cast %swap3A_244 : i32 to index
      %swap3A_246 = arith.constant 16 : index
      %swap3A_247 = tpu.vector_load %arg6[%swap3A_245, %swap3A_246] {strides = array<i32>} : memref<8x128xi32, #tpu.memory_space<vmem>>, vector<1x16xi32>,
      %swap3A_248 = vector.shape_cast %swap3A_247 : vector<1x16xi32> to vector<16xi32>
      %swap3A_249 = vector.shape_cast %or3A_243 : vector<16xi32> to vector<1x16xi32>
      tpu.vector_store %arg6[%swap3A_245, %swap3A_246], %swap3A_249 {strides = array<i32>} : memref<8x128xi32, #tpu.memory_space<vmem>>, vector<1x16xi32>,
      %get3A_250 = arith.constant 1 : i32
      %get3A_251 = arith.index_cast %get3A_250 : i32 to index
      %get3A_252 = arith.constant 32 : index
      %get3A_253 = tpu.vector_load %arg5[%get3A_251, %get3A_252] {strides = array<i32>} : memref<8x128xi32, #tpu.memory_space<vmem>>, vector<1x16xi32>,
      %get3A_254 = vector.shape_cast %get3A_253 : vector<1x16xi32> to vector<16xi32>
      %and3A_255 = arith.constant 262143 : i32
      %and3A_256 = vector.broadcast %and3A_255 : i32 to vector<16xi32>
      %and3A_257 = arith.andi %get3A_254, %and3A_256 : vector<16xi32>
      %shift_left3A_258 = arith.constant 2 : i32
      %shift_left3A_259 = vector.broadcast %shift_left3A_258 : i32 to vector<16xi32>
      %shift_left3A_260 = arith.shli %and3A_257, %shift_left3A_259 : vector<16xi32>
      %shift_right_logical3A_261 = arith.constant 18 : i32
      %shift_right_logical3A_262 = vector.broadcast %shift_right_logical3A_261 : i32 to vector<16xi32>
      %shift_right_logical3A_263 = arith.shrui %get3A_254, %shift_right_logical3A_262 : vector<16xi32>
      %or3A_264 = arith.ori %shift_left3A_260, %shift_right_logical3A_263 : vector<16xi32>
      %swap3A_265 = arith.constant 1 : i32
      %swap3A_266 = arith.index_cast %swap3A_265 : i32 to index
      %swap3A_267 = arith.constant 32 : index
      %swap3A_268 = tpu.vector_load %arg6[%swap3A_266, %swap3A_267] {strides = array<i32>} : memref<8x128xi32, #tpu.memory_space<vmem>>, vector<1x16xi32>,
      %swap3A_269 = vector.shape_cast %swap3A_268 : vector<1x16xi32> to vector<16xi32>
      %swap3A_270 = vector.shape_cast %or3A_264 : vector<16xi32> to vector<1x16xi32>
      tpu.vector_store %arg6[%swap3A_266, %swap3A_267], %swap3A_270 {strides = array<i32>} : memref<8x128xi32, #tpu.memory_space<vmem>>, vector<1x16xi32>,
      %get3A_271 = arith.constant 1 : i32
      %get3A_272 = arith.index_cast %get3A_271 : i32 to index
      %get3A_273 = arith.constant 48 : index
      %get3A_274 = tpu.vector_load %arg5[%get3A_272, %get3A_273] {strides = array<i32>} : memref<8x128xi32, #tpu.memory_space<vmem>>, vector<1x16xi32>,
      %get3A_275 = vector.shape_cast %get3A_274 : vector<1x16xi32> to vector<16xi32>
      %and3A_276 = arith.constant 262143 : i32
      %and3A_277 = vector.broadcast %and3A_276 : i32 to vector<16xi32>
      %and3A_278 = arith.andi %get3A_275, %and3A_277 : vector<16xi32>
      %shift_left3A_279 = arith.constant 2 : i32
      %shift_left3A_280 = vector.broadcast %shift_left3A_279 : i32 to vector<16xi32>
      %shift_left3A_281 = arith.shli %and3A_278, %shift_left3A_280 : vector<16xi32>
      %shift_right_logical3A_282 = arith.constant 18 : i32
      %shift_right_logical3A_283 = vector.broadcast %shift_right_logical3A_282 : i32 to vector<16xi32>
      %shift_right_logical3A_284 = arith.shrui %get3A_275, %shift_right_logical3A_283 : vector<16xi32>
      %or3A_285 = arith.ori %shift_left3A_281, %shift_right_logical3A_284 : vector<16xi32>
      %swap3A_286 = arith.constant 1 : i32
      %swap3A_287 = arith.index_cast %swap3A_286 : i32 to index
      %swap3A_288 = arith.constant 48 : index
      %swap3A_289 = tpu.vector_load %arg6[%swap3A_287, %swap3A_288] {strides = array<i32>} : memref<8x128xi32, #tpu.memory_space<vmem>>, vector<1x16xi32>,
      %swap3A_290 = vector.shape_cast %swap3A_289 : vector<1x16xi32> to vector<16xi32>
      %swap3A_291 = vector.shape_cast %or3A_285 : vector<16xi32> to vector<1x16xi32>
      tpu.vector_store %arg6[%swap3A_287, %swap3A_288], %swap3A_291 {strides = array<i32>} : memref<8x128xi32, #tpu.memory_space<vmem>>, vector<1x16xi32>,
      %get3A_292 = arith.constant 1 : i32
      %get3A_293 = arith.index_cast %get3A_292 : i32 to index
      %get3A_294 = arith.constant 64 : index
      %get3A_295 = tpu.vector_load %arg5[%get3A_293, %get3A_294] {strides = array<i32>} : memref<8x128xi32, #tpu.memory_space<vmem>>, vector<1x16xi32>,
      %get3A_296 = vector.shape_cast %get3A_295 : vector<1x16xi32> to vector<16xi32>
      %and3A_297 = arith.constant 262143 : i32
      %and3A_298 = vector.broadcast %and3A_297 : i32 to vector<16xi32>
      %and3A_299 = arith.andi %get3A_296, %and3A_298 : vector<16xi32>
      %shift_left3A_300 = arith.constant 2 : i32
      %shift_left3A_301 = vector.broadcast %shift_left3A_300 : i32 to vector<16xi32>
      %shift_left3A_302 = arith.shli %and3A_299, %shift_left3A_301 : vector<16xi32>
      %shift_right_logical3A_303 = arith.constant 18 : i32
      %shift_right_logical3A_304 = vector.broadcast %shift_right_logical3A_303 : i32 to vector<16xi32>
      %shift_right_logical3A_305 = arith.shrui %get3A_296, %shift_right_logical3A_304 : vector<16xi32>
      %or3A_306 = arith.ori %shift_left3A_302, %shift_right_logical3A_305 : vector<16xi32>
      %swap3A_307 = arith.constant 1 : i32
      %swap3A_308 = arith.index_cast %swap3A_307 : i32 to index
      %swap3A_309 = arith.constant 64 : index
      %swap3A_310 = tpu.vector_load %arg6[%swap3A_308, %swap3A_309] {strides = array<i32>} : memref<8x128xi32, #tpu.memory_space<vmem>>, vector<1x16xi32>,
      %swap3A_311 = vector.shape_cast %swap3A_310 : vector<1x16xi32> to vector<16xi32>
      %swap3A_312 = vector.shape_cast %or3A_306 : vector<16xi32> to vector<1x16xi32>
      tpu.vector_store %arg6[%swap3A_308, %swap3A_309], %swap3A_312 {strides = array<i32>} : memref<8x128xi32, #tpu.memory_space<vmem>>, vector<1x16xi32>,
      %get3A_313 = arith.constant 1 : i32
      %get3A_314 = arith.index_cast %get3A_313 : i32 to index
      %get3A_315 = arith.constant 80 : index
      %get3A_316 = tpu.vector_load %arg5[%get3A_314, %get3A_315] {strides = array<i32>} : memref<8x128xi32, #tpu.memory_space<vmem>>, vector<1x16xi32>,
      %get3A_317 = vector.shape_cast %get3A_316 : vector<1x16xi32> to vector<16xi32>
      %and3A_318 = arith.constant 262143 : i32
      %and3A_319 = vector.broadcast %and3A_318 : i32 to vector<16xi32>
      %and3A_320 = arith.andi %get3A_317, %and3A_319 : vector<16xi32>
      %shift_left3A_321 = arith.constant 2 : i32
      %shift_left3A_322 = vector.broadcast %shift_left3A_321 : i32 to vector<16xi32>
      %shift_left3A_323 = arith.shli %and3A_320, %shift_left3A_322 : vector<16xi32>
      %shift_right_logical3A_324 = arith.constant 18 : i32
      %shift_right_logical3A_325 = vector.broadcast %shift_right_logical3A_324 : i32 to vector<16xi32>
      %shift_right_logical3A_326 = arith.shrui %get3A_317, %shift_right_logical3A_325 : vector<16xi32>
      %or3A_327 = arith.ori %shift_left3A_323, %shift_right_logical3A_326 : vector<16xi32>
      %swap3A_328 = arith.constant 1 : i32
      %swap3A_329 = arith.index_cast %swap3A_328 : i32 to index
      %swap3A_330 = arith.constant 80 : index
      %swap3A_331 = tpu.vector_load %arg6[%swap3A_329, %swap3A_330] {strides = array<i32>} : memref<8x128xi32, #tpu.memory_space<vmem>>, vector<1x16xi32>,
      %swap3A_332 = vector.shape_cast %swap3A_331 : vector<1x16xi32> to vector<16xi32>
      %swap3A_333 = vector.shape_cast %or3A_327 : vector<16xi32> to vector<1x16xi32>
      tpu.vector_store %arg6[%swap3A_329, %swap3A_330], %swap3A_333 {strides = array<i32>} : memref<8x128xi32, #tpu.memory_space<vmem>>, vector<1x16xi32>,
      %get3A_334 = arith.constant 1 : i32
      %get3A_335 = arith.index_cast %get3A_334 : i32 to index
      %get3A_336 = arith.constant 96 : index
      %get3A_337 = tpu.vector_load %arg5[%get3A_335, %get3A_336] {strides = array<i32>} : memref<8x128xi32, #tpu.memory_space<vmem>>, vector<1x16xi32>,
      %get3A_338 = vector.shape_cast %get3A_337 : vector<1x16xi32> to vector<16xi32>
      %and3A_339 = arith.constant 262143 : i32
      %and3A_340 = vector.broadcast %and3A_339 : i32 to vector<16xi32>
      %and3A_341 = arith.andi %get3A_338, %and3A_340 : vector<16xi32>
      %shift_left3A_342 = arith.constant 2 : i32
      %shift_left3A_343 = vector.broadcast %shift_left3A_342 : i32 to vector<16xi32>
      %shift_left3A_344 = arith.shli %and3A_341, %shift_left3A_343 : vector<16xi32>
      %shift_right_logical3A_345 = arith.constant 18 : i32
      %shift_right_logical3A_346 = vector.broadcast %shift_right_logical3A_345 : i32 to vector<16xi32>
      %shift_right_logical3A_347 = arith.shrui %get3A_338, %shift_right_logical3A_346 : vector<16xi32>
      %or3A_348 = arith.ori %shift_left3A_344, %shift_right_logical3A_347 : vector<16xi32>
      %swap3A_349 = arith.constant 1 : i32
      %swap3A_350 = arith.index_cast %swap3A_349 : i32 to index
      %swap3A_351 = arith.constant 96 : index
      %swap3A_352 = tpu.vector_load %arg6[%swap3A_350, %swap3A_351] {strides = array<i32>} : memref<8x128xi32, #tpu.memory_space<vmem>>, vector<1x16xi32>,
      %swap3A_353 = vector.shape_cast %swap3A_352 : vector<1x16xi32> to vector<16xi32>
      %swap3A_354 = vector.shape_cast %or3A_348 : vector<16xi32> to vector<1x16xi32>
      tpu.vector_store %arg6[%swap3A_350, %swap3A_351], %swap3A_354 {strides = array<i32>} : memref<8x128xi32, #tpu.memory_space<vmem>>, vector<1x16xi32>,
      %get3A_355 = arith.constant 1 : i32
      %get3A_356 = arith.index_cast %get3A_355 : i32 to index
      %get3A_357 = arith.constant 112 : index
      %get3A_358 = tpu.vector_load %arg5[%get3A_356, %get3A_357] {strides = array<i32>} : memref<8x128xi32, #tpu.memory_space<vmem>>, vector<1x16xi32>,
      %get3A_359 = vector.shape_cast %get3A_358 : vector<1x16xi32> to vector<16xi32>
      %and3A_360 = arith.constant 262143 : i32
      %and3A_361 = vector.broadcast %and3A_360 : i32 to vector<16xi32>
      %and3A_362 = arith.andi %get3A_359, %and3A_361 : vector<16xi32>
      %shift_left3A_363 = arith.constant 2 : i32
      %shift_left3A_364 = vector.broadcast %shift_left3A_363 : i32 to vector<16xi32>
      %shift_left3A_365 = arith.shli %and3A_362, %shift_left3A_364 : vector<16xi32>
      %shift_right_logical3A_366 = arith.constant 18 : i32
      %shift_right_logical3A_367 = vector.broadcast %shift_right_logical3A_366 : i32 to vector<16xi32>
      %shift_right_logical3A_368 = arith.shrui %get3A_359, %shift_right_logical3A_367 : vector<16xi32>
      %or3A_369 = arith.ori %shift_left3A_365, %shift_right_logical3A_368 : vector<16xi32>
      %swap3A_370 = arith.constant 1 : i32
      %swap3A_371 = arith.index_cast %swap3A_370 : i32 to index
      %swap3A_372 = arith.constant 112 : index
      %swap3A_373 = tpu.vector_load %arg6[%swap3A_371, %swap3A_372] {strides = array<i32>} : memref<8x128xi32, #tpu.memory_space<vmem>>, vector<1x16xi32>,
      %swap3A_374 = vector.shape_cast %swap3A_373 : vector<1x16xi32> to vector<16xi32>
      %swap3A_375 = vector.shape_cast %or3A_369 : vector<16xi32> to vector<1x16xi32>
      tpu.vector_store %arg6[%swap3A_371, %swap3A_372], %swap3A_375 {strides = array<i32>} : memref<8x128xi32, #tpu.memory_space<vmem>>, vector<1x16xi32>,
      %get3A_376 = arith.constant 2 : i32
      %get3A_377 = arith.index_cast %get3A_376 : i32 to index
      %get3A_378 = arith.constant 0 : index
      %get3A_379 = tpu.vector_load %arg5[%get3A_377, %get3A_378] {strides = array<i32>} : memref<8x128xi32, #tpu.memory_space<vmem>>, vector<1x16xi32>,
      %get3A_380 = vector.shape_cast %get3A_379 : vector<1x16xi32> to vector<16xi32>
      %and3A_381 = arith.constant 262143 : i32
      %and3A_382 = vector.broadcast %and3A_381 : i32 to vector<16xi32>
      %and3A_383 = arith.andi %get3A_380, %and3A_382 : vector<16xi32>
      %shift_left3A_384 = arith.constant 2 : i32
      %shift_left3A_385 = vector.broadcast %shift_left3A_384 : i32 to vector<16xi32>
      %shift_left3A_386 = arith.shli %and3A_383, %shift_left3A_385 : vector<16xi32>
      %shift_right_logical3A_387 = arith.constant 18 : i32
      %shift_right_logical3A_388 = vector.broadcast %shift_right_logical3A_387 : i32 to vector<16xi32>
      %shift_right_logical3A_389 = arith.shrui %get3A_380, %shift_right_logical3A_388 : vector<16xi32>
      %or3A_390 = arith.ori %shift_left3A_386, %shift_right_logical3A_389 : vector<16xi32>
      %swap3A_391 = arith.constant 2 : i32
      %swap3A_392 = arith.index_cast %swap3A_391 : i32 to index
      %swap3A_393 = arith.constant 0 : index
      %swap3A_394 = tpu.vector_load %arg6[%swap3A_392, %swap3A_393] {strides = array<i32>} : memref<8x128xi32, #tpu.memory_space<vmem>>, vector<1x16xi32>,
      %swap3A_395 = vector.shape_cast %swap3A_394 : vector<1x16xi32> to vector<16xi32>
      %swap3A_396 = vector.shape_cast %or3A_390 : vector<16xi32> to vector<1x16xi32>
      tpu.vector_store %arg6[%swap3A_392, %swap3A_393], %swap3A_396 {strides = array<i32>} : memref<8x128xi32, #tpu.memory_space<vmem>>, vector<1x16xi32>,
      %get3A_397 = arith.constant 2 : i32
      %get3A_398 = arith.index_cast %get3A_397 : i32 to index
      %get3A_399 = arith.constant 16 : index
      %get3A_400 = tpu.vector_load %arg5[%get3A_398, %get3A_399] {strides = array<i32>} : memref<8x128xi32, #tpu.memory_space<vmem>>, vector<1x16xi32>,
      %get3A_401 = vector.shape_cast %get3A_400 : vector<1x16xi32> to vector<16xi32>
      %and3A_402 = arith.constant 262143 : i32
      %and3A_403 = vector.broadcast %and3A_402 : i32 to vector<16xi32>
      %and3A_404 = arith.andi %get3A_401, %and3A_403 : vector<16xi32>
      %shift_left3A_405 = arith.constant 2 : i32
      %shift_left3A_406 = vector.broadcast %shift_left3A_405 : i32 to vector<16xi32>
      %shift_left3A_407 = arith.shli %and3A_404, %shift_left3A_406 : vector<16xi32>
      %shift_right_logical3A_408 = arith.constant 18 : i32
      %shift_right_logical3A_409 = vector.broadcast %shift_right_logical3A_408 : i32 to vector<16xi32>
      %shift_right_logical3A_410 = arith.shrui %get3A_401, %shift_right_logical3A_409 : vector<16xi32>
      %or3A_411 = arith.ori %shift_left3A_407, %shift_right_logical3A_410 : vector<16xi32>
      %swap3A_412 = arith.constant 2 : i32
      %swap3A_413 = arith.index_cast %swap3A_412 : i32 to index
      %swap3A_414 = arith.constant 16 : index
      %swap3A_415 = tpu.vector_load %arg6[%swap3A_413, %swap3A_414] {strides = array<i32>} : memref<8x128xi32, #tpu.memory_space<vmem>>, vector<1x16xi32>,
      %swap3A_416 = vector.shape_cast %swap3A_415 : vector<1x16xi32> to vector<16xi32>
      %swap3A_417 = vector.shape_cast %or3A_411 : vector<16xi32> to vector<1x16xi32>
      tpu.vector_store %arg6[%swap3A_413, %swap3A_414], %swap3A_417 {strides = array<i32>} : memref<8x128xi32, #tpu.memory_space<vmem>>, vector<1x16xi32>,
      %get3A_418 = arith.constant 2 : i32
      %get3A_419 = arith.index_cast %get3A_418 : i32 to index
      %get3A_420 = arith.constant 32 : index
      %get3A_421 = tpu.vector_load %arg5[%get3A_419, %get3A_420] {strides = array<i32>} : memref<8x128xi32, #tpu.memory_space<vmem>>, vector<1x16xi32>,
      %get3A_422 = vector.shape_cast %get3A_421 : vector<1x16xi32> to vector<16xi32>
      %and3A_423 = arith.constant 262143 : i32
      %and3A_424 = vector.broadcast %and3A_423 : i32 to vector<16xi32>
      %and3A_425 = arith.andi %get3A_422, %and3A_424 : vector<16xi32>
      %shift_left3A_426 = arith.constant 2 : i32
      %shift_left3A_427 = vector.broadcast %shift_left3A_426 : i32 to vector<16xi32>
      %shift_left3A_428 = arith.shli %and3A_425, %shift_left3A_427 : vector<16xi32>
      %shift_right_logical3A_429 = arith.constant 18 : i32
      %shift_right_logical3A_430 = vector.broadcast %shift_right_logical3A_429 : i32 to vector<16xi32>
      %shift_right_logical3A_431 = arith.shrui %get3A_422, %shift_right_logical3A_430 : vector<16xi32>
      %or3A_432 = arith.ori %shift_left3A_428, %shift_right_logical3A_431 : vector<16xi32>
      %swap3A_433 = arith.constant 2 : i32
      %swap3A_434 = arith.index_cast %swap3A_433 : i32 to index
      %swap3A_435 = arith.constant 32 : index
      %swap3A_436 = tpu.vector_load %arg6[%swap3A_434, %swap3A_435] {strides = array<i32>} : memref<8x128xi32, #tpu.memory_space<vmem>>, vector<1x16xi32>,
      %swap3A_437 = vector.shape_cast %swap3A_436 : vector<1x16xi32> to vector<16xi32>
      %swap3A_438 = vector.shape_cast %or3A_432 : vector<16xi32> to vector<1x16xi32>
      tpu.vector_store %arg6[%swap3A_434, %swap3A_435], %swap3A_438 {strides = array<i32>} : memref<8x128xi32, #tpu.memory_space<vmem>>, vector<1x16xi32>,
      %get3A_439 = arith.constant 2 : i32
      %get3A_440 = arith.index_cast %get3A_439 : i32 to index
      %get3A_441 = arith.constant 48 : index
      %get3A_442 = tpu.vector_load %arg5[%get3A_440, %get3A_441] {strides = array<i32>} : memref<8x128xi32, #tpu.memory_space<vmem>>, vector<1x16xi32>,
      %get3A_443 = vector.shape_cast %get3A_442 : vector<1x16xi32> to vector<16xi32>
      %and3A_444 = arith.constant 262143 : i32
      %and3A_445 = vector.broadcast %and3A_444 : i32 to vector<16xi32>
      %and3A_446 = arith.andi %get3A_443, %and3A_445 : vector<16xi32>
      %shift_left3A_447 = arith.constant 2 : i32
      %shift_left3A_448 = vector.broadcast %shift_left3A_447 : i32 to vector<16xi32>
      %shift_left3A_449 = arith.shli %and3A_446, %shift_left3A_448 : vector<16xi32>
      %shift_right_logical3A_450 = arith.constant 18 : i32
      %shift_right_logical3A_451 = vector.broadcast %shift_right_logical3A_450 : i32 to vector<16xi32>
      %shift_right_logical3A_452 = arith.shrui %get3A_443, %shift_right_logical3A_451 : vector<16xi32>
      %or3A_453 = arith.ori %shift_left3A_449, %shift_right_logical3A_452 : vector<16xi32>
      %swap3A_454 = arith.constant 2 : i32
      %swap3A_455 = arith.index_cast %swap3A_454 : i32 to index
      %swap3A_456 = arith.constant 48 : index
      %swap3A_457 = tpu.vector_load %arg6[%swap3A_455, %swap3A_456] {strides = array<i32>} : memref<8x128xi32, #tpu.memory_space<vmem>>, vector<1x16xi32>,
      %swap3A_458 = vector.shape_cast %swap3A_457 : vector<1x16xi32> to vector<16xi32>
      %swap3A_459 = vector.shape_cast %or3A_453 : vector<16xi32> to vector<1x16xi32>
      tpu.vector_store %arg6[%swap3A_455, %swap3A_456], %swap3A_459 {strides = array<i32>} : memref<8x128xi32, #tpu.memory_space<vmem>>, vector<1x16xi32>,
      %get3A_460 = arith.constant 2 : i32
      %get3A_461 = arith.index_cast %get3A_460 : i32 to index
      %get3A_462 = arith.constant 64 : index
      %get3A_463 = tpu.vector_load %arg5[%get3A_461, %get3A_462] {strides = array<i32>} : memref<8x128xi32, #tpu.memory_space<vmem>>, vector<1x16xi32>,
      %get3A_464 = vector.shape_cast %get3A_463 : vector<1x16xi32> to vector<16xi32>
      %and3A_465 = arith.constant 262143 : i32
      %and3A_466 = vector.broadcast %and3A_465 : i32 to vector<16xi32>
      %and3A_467 = arith.andi %get3A_464, %and3A_466 : vector<16xi32>
      %shift_left3A_468 = arith.constant 2 : i32
      %shift_left3A_469 = vector.broadcast %shift_left3A_468 : i32 to vector<16xi32>
      %shift_left3A_470 = arith.shli %and3A_467, %shift_left3A_469 : vector<16xi32>
      %shift_right_logical3A_471 = arith.constant 18 : i32
      %shift_right_logical3A_472 = vector.broadcast %shift_right_logical3A_471 : i32 to vector<16xi32>
      %shift_right_logical3A_473 = arith.shrui %get3A_464, %shift_right_logical3A_472 : vector<16xi32>
      %or3A_474 = arith.ori %shift_left3A_470, %shift_right_logical3A_473 : vector<16xi32>
      %swap3A_475 = arith.constant 2 : i32
      %swap3A_476 = arith.index_cast %swap3A_475 : i32 to index
      %swap3A_477 = arith.constant 64 : index
      %swap3A_478 = tpu.vector_load %arg6[%swap3A_476, %swap3A_477] {strides = array<i32>} : memref<8x128xi32, #tpu.memory_space<vmem>>, vector<1x16xi32>,
      %swap3A_479 = vector.shape_cast %swap3A_478 : vector<1x16xi32> to vector<16xi32>
      %swap3A_480 = vector.shape_cast %or3A_474 : vector<16xi32> to vector<1x16xi32>
      tpu.vector_store %arg6[%swap3A_476, %swap3A_477], %swap3A_480 {strides = array<i32>} : memref<8x128xi32, #tpu.memory_space<vmem>>, vector<1x16xi32>,
      %get3A_481 = arith.constant 2 : i32
      %get3A_482 = arith.index_cast %get3A_481 : i32 to index
      %get3A_483 = arith.constant 80 : index
      %get3A_484 = tpu.vector_load %arg5[%get3A_482, %get3A_483] {strides = array<i32>} : memref<8x128xi32, #tpu.memory_space<vmem>>, vector<1x16xi32>,
      %get3A_485 = vector.shape_cast %get3A_484 : vector<1x16xi32> to vector<16xi32>
      %and3A_486 = arith.constant 262143 : i32
      %and3A_487 = vector.broadcast %and3A_486 : i32 to vector<16xi32>
      %and3A_488 = arith.andi %get3A_485, %and3A_487 : vector<16xi32>
      %shift_left3A_489 = arith.constant 2 : i32
      %shift_left3A_490 = vector.broadcast %shift_left3A_489 : i32 to vector<16xi32>
      %shift_left3A_491 = arith.shli %and3A_488, %shift_left3A_490 : vector<16xi32>
      %shift_right_logical3A_492 = arith.constant 18 : i32
      %shift_right_logical3A_493 = vector.broadcast %shift_right_logical3A_492 : i32 to vector<16xi32>
      %shift_right_logical3A_494 = arith.shrui %get3A_485, %shift_right_logical3A_493 : vector<16xi32>
      %or3A_495 = arith.ori %shift_left3A_491, %shift_right_logical3A_494 : vector<16xi32>
      %swap3A_496 = arith.constant 2 : i32
      %swap3A_497 = arith.index_cast %swap3A_496 : i32 to index
      %swap3A_498 = arith.constant 80 : index
      %swap3A_499 = tpu.vector_load %arg6[%swap3A_497, %swap3A_498] {strides = array<i32>} : memref<8x128xi32, #tpu.memory_space<vmem>>, vector<1x16xi32>,
      %swap3A_500 = vector.shape_cast %swap3A_499 : vector<1x16xi32> to vector<16xi32>
      %swap3A_501 = vector.shape_cast %or3A_495 : vector<16xi32> to vector<1x16xi32>
      tpu.vector_store %arg6[%swap3A_497, %swap3A_498], %swap3A_501 {strides = array<i32>} : memref<8x128xi32, #tpu.memory_space<vmem>>, vector<1x16xi32>,
      %get3A_502 = arith.constant 2 : i32
      %get3A_503 = arith.index_cast %get3A_502 : i32 to index
      %get3A_504 = arith.constant 96 : index
      %get3A_505 = tpu.vector_load %arg5[%get3A_503, %get3A_504] {strides = array<i32>} : memref<8x128xi32, #tpu.memory_space<vmem>>, vector<1x16xi32>,
      %get3A_506 = vector.shape_cast %get3A_505 : vector<1x16xi32> to vector<16xi32>
      %and3A_507 = arith.constant 262143 : i32
      %and3A_508 = vector.broadcast %and3A_507 : i32 to vector<16xi32>
      %and3A_509 = arith.andi %get3A_506, %and3A_508 : vector<16xi32>
      %shift_left3A_510 = arith.constant 2 : i32
      %shift_left3A_511 = vector.broadcast %shift_left3A_510 : i32 to vector<16xi32>
      %shift_left3A_512 = arith.shli %and3A_509, %shift_left3A_511 : vector<16xi32>
      %shift_right_logical3A_513 = arith.constant 18 : i32
      %shift_right_logical3A_514 = vector.broadcast %shift_right_logical3A_513 : i32 to vector<16xi32>
      %shift_right_logical3A_515 = arith.shrui %get3A_506, %shift_right_logical3A_514 : vector<16xi32>
      %or3A_516 = arith.ori %shift_left3A_512, %shift_right_logical3A_515 : vector<16xi32>
      %swap3A_517 = arith.constant 2 : i32
      %swap3A_518 = arith.index_cast %swap3A_517 : i32 to index
      %swap3A_519 = arith.constant 96 : index
      %swap3A_520 = tpu.vector_load %arg6[%swap3A_518, %swap3A_519] {strides = array<i32>} : memref<8x128xi32, #tpu.memory_space<vmem>>, vector<1x16xi32>,
      %swap3A_521 = vector.shape_cast %swap3A_520 : vector<1x16xi32> to vector<16xi32>
      %swap3A_522 = vector.shape_cast %or3A_516 : vector<16xi32> to vector<1x16xi32>
      tpu.vector_store %arg6[%swap3A_518, %swap3A_519], %swap3A_522 {strides = array<i32>} : memref<8x128xi32, #tpu.memory_space<vmem>>, vector<1x16xi32>,
      %get3A_523 = arith.constant 2 : i32
      %get3A_524 = arith.index_cast %get3A_523 : i32 to index
      %get3A_525 = arith.constant 112 : index
      %get3A_526 = tpu.vector_load %arg5[%get3A_524, %get3A_525] {strides = array<i32>} : memref<8x128xi32, #tpu.memory_space<vmem>>, vector<1x16xi32>,
      %get3A_527 = vector.shape_cast %get3A_526 : vector<1x16xi32> to vector<16xi32>
      %and3A_528 = arith.constant 262143 : i32
      %and3A_529 = vector.broadcast %and3A_528 : i32 to vector<16xi32>
      %and3A_530 = arith.andi %get3A_527, %and3A_529 : vector<16xi32>
      %shift_left3A_531 = arith.constant 2 : i32
      %shift_left3A_532 = vector.broadcast %shift_left3A_531 : i32 to vector<16xi32>
      %shift_left3A_533 = arith.shli %and3A_530, %shift_left3A_532 : vector<16xi32>
      %shift_right_logical3A_534 = arith.constant 18 : i32
      %shift_right_logical3A_535 = vector.broadcast %shift_right_logical3A_534 : i32 to vector<16xi32>
      %shift_right_logical3A_536 = arith.shrui %get3A_527, %shift_right_logical3A_535 : vector<16xi32>
      %or3A_537 = arith.ori %shift_left3A_533, %shift_right_logical3A_536 : vector<16xi32>
      %swap3A_538 = arith.constant 2 : i32
      %swap3A_539 = arith.index_cast %swap3A_538 : i32 to index
      %swap3A_540 = arith.constant 112 : index
      %swap3A_541 = tpu.vector_load %arg6[%swap3A_539, %swap3A_540] {strides = array<i32>} : memref<8x128xi32, #tpu.memory_space<vmem>>, vector<1x16xi32>,
      %swap3A_542 = vector.shape_cast %swap3A_541 : vector<1x16xi32> to vector<16xi32>
      %swap3A_543 = vector.shape_cast %or3A_537 : vector<16xi32> to vector<1x16xi32>
      tpu.vector_store %arg6[%swap3A_539, %swap3A_540], %swap3A_543 {strides = array<i32>} : memref<8x128xi32, #tpu.memory_space<vmem>>, vector<1x16xi32>,
      %get3A_544 = arith.constant 3 : i32
      %get3A_545 = arith.index_cast %get3A_544 : i32 to index
      %get3A_546 = arith.constant 0 : index
      %get3A_547 = tpu.vector_load %arg5[%get3A_545, %get3A_546] {strides = array<i32>} : memref<8x128xi32, #tpu.memory_space<vmem>>, vector<1x16xi32>,
      %get3A_548 = vector.shape_cast %get3A_547 : vector<1x16xi32> to vector<16xi32>
      %and3A_549 = arith.constant 262143 : i32
      %and3A_550 = vector.broadcast %and3A_549 : i32 to vector<16xi32>
      %and3A_551 = arith.andi %get3A_548, %and3A_550 : vector<16xi32>
      %shift_left3A_552 = arith.constant 2 : i32
      %shift_left3A_553 = vector.broadcast %shift_left3A_552 : i32 to vector<16xi32>
      %shift_left3A_554 = arith.shli %and3A_551, %shift_left3A_553 : vector<16xi32>
      %shift_right_logical3A_555 = arith.constant 18 : i32
      %shift_right_logical3A_556 = vector.broadcast %shift_right_logical3A_555 : i32 to vector<16xi32>
      %shift_right_logical3A_557 = arith.shrui %get3A_548, %shift_right_logical3A_556 : vector<16xi32>
      %or3A_558 = arith.ori %shift_left3A_554, %shift_right_logical3A_557 : vector<16xi32>
      %swap3A_559 = arith.constant 3 : i32
      %swap3A_560 = arith.index_cast %swap3A_559 : i32 to index
      %swap3A_561 = arith.constant 0 : index
      %swap3A_562 = tpu.vector_load %arg6[%swap3A_560, %swap3A_561] {strides = array<i32>} : memref<8x128xi32, #tpu.memory_space<vmem>>, vector<1x16xi32>,
      %swap3A_563 = vector.shape_cast %swap3A_562 : vector<1x16xi32> to vector<16xi32>
      %swap3A_564 = vector.shape_cast %or3A_558 : vector<16xi32> to vector<1x16xi32>
      tpu.vector_store %arg6[%swap3A_560, %swap3A_561], %swap3A_564 {strides = array<i32>} : memref<8x128xi32, #tpu.memory_space<vmem>>, vector<1x16xi32>,
      %get3A_565 = arith.constant 3 : i32
      %get3A_566 = arith.index_cast %get3A_565 : i32 to index
      %get3A_567 = arith.constant 16 : index
      %get3A_568 = tpu.vector_load %arg5[%get3A_566, %get3A_567] {strides = array<i32>} : memref<8x128xi32, #tpu.memory_space<vmem>>, vector<1x16xi32>,
      %get3A_569 = vector.shape_cast %get3A_568 : vector<1x16xi32> to vector<16xi32>
      %and3A_570 = arith.constant 262143 : i32
      %and3A_571 = vector.broadcast %and3A_570 : i32 to vector<16xi32>
      %and3A_572 = arith.andi %get3A_569, %and3A_571 : vector<16xi32>
      %shift_left3A_573 = arith.constant 2 : i32
      %shift_left3A_574 = vector.broadcast %shift_left3A_573 : i32 to vector<16xi32>
      %shift_left3A_575 = arith.shli %and3A_572, %shift_left3A_574 : vector<16xi32>
      %shift_right_logical3A_576 = arith.constant 18 : i32
      %shift_right_logical3A_577 = vector.broadcast %shift_right_logical3A_576 : i32 to vector<16xi32>
      %shift_right_logical3A_578 = arith.shrui %get3A_569, %shift_right_logical3A_577 : vector<16xi32>
      %or3A_579 = arith.ori %shift_left3A_575, %shift_right_logical3A_578 : vector<16xi32>
      %swap3A_580 = arith.constant 3 : i32
      %swap3A_581 = arith.index_cast %swap3A_580 : i32 to index
      %swap3A_582 = arith.constant 16 : index
      %swap3A_583 = tpu.vector_load %arg6[%swap3A_581, %swap3A_582] {strides = array<i32>} : memref<8x128xi32, #tpu.memory_space<vmem>>, vector<1x16xi32>,
      %swap3A_584 = vector.shape_cast %swap3A_583 : vector<1x16xi32> to vector<16xi32>
      %swap3A_585 = vector.shape_cast %or3A_579 : vector<16xi32> to vector<1x16xi32>
      tpu.vector_store %arg6[%swap3A_581, %swap3A_582], %swap3A_585 {strides = array<i32>} : memref<8x128xi32, #tpu.memory_space<vmem>>, vector<1x16xi32>,
      %get3A_586 = arith.constant 3 : i32
      %get3A_587 = arith.index_cast %get3A_586 : i32 to index
      %get3A_588 = arith.constant 32 : index
      %get3A_589 = tpu.vector_load %arg5[%get3A_587, %get3A_588] {strides = array<i32>} : memref<8x128xi32, #tpu.memory_space<vmem>>, vector<1x16xi32>,
      %get3A_590 = vector.shape_cast %get3A_589 : vector<1x16xi32> to vector<16xi32>
      %and3A_591 = arith.constant 262143 : i32
      %and3A_592 = vector.broadcast %and3A_591 : i32 to vector<16xi32>
      %and3A_593 = arith.andi %get3A_590, %and3A_592 : vector<16xi32>
      %shift_left3A_594 = arith.constant 2 : i32
      %shift_left3A_595 = vector.broadcast %shift_left3A_594 : i32 to vector<16xi32>
      %shift_left3A_596 = arith.shli %and3A_593, %shift_left3A_595 : vector<16xi32>
      %shift_right_logical3A_597 = arith.constant 18 : i32
      %shift_right_logical3A_598 = vector.broadcast %shift_right_logical3A_597 : i32 to vector<16xi32>
      %shift_right_logical3A_599 = arith.shrui %get3A_590, %shift_right_logical3A_598 : vector<16xi32>
      %or3A_600 = arith.ori %shift_left3A_596, %shift_right_logical3A_599 : vector<16xi32>
      %swap3A_601 = arith.constant 3 : i32
      %swap3A_602 = arith.index_cast %swap3A_601 : i32 to index
      %swap3A_603 = arith.constant 32 : index
      %swap3A_604 = tpu.vector_load %arg6[%swap3A_602, %swap3A_603] {strides = array<i32>} : memref<8x128xi32, #tpu.memory_space<vmem>>, vector<1x16xi32>,
      %swap3A_605 = vector.shape_cast %swap3A_604 : vector<1x16xi32> to vector<16xi32>
      %swap3A_606 = vector.shape_cast %or3A_600 : vector<16xi32> to vector<1x16xi32>
      tpu.vector_store %arg6[%swap3A_602, %swap3A_603], %swap3A_606 {strides = array<i32>} : memref<8x128xi32, #tpu.memory_space<vmem>>, vector<1x16xi32>,
      %get3A_607 = arith.constant 3 : i32
      %get3A_608 = arith.index_cast %get3A_607 : i32 to index
      %get3A_609 = arith.constant 48 : index
      %get3A_610 = tpu.vector_load %arg5[%get3A_608, %get3A_609] {strides = array<i32>} : memref<8x128xi32, #tpu.memory_space<vmem>>, vector<1x16xi32>,
      %get3A_611 = vector.shape_cast %get3A_610 : vector<1x16xi32> to vector<16xi32>
      %and3A_612 = arith.constant 262143 : i32
      %and3A_613 = vector.broadcast %and3A_612 : i32 to vector<16xi32>
      %and3A_614 = arith.andi %get3A_611, %and3A_613 : vector<16xi32>
      %shift_left3A_615 = arith.constant 2 : i32
      %shift_left3A_616 = vector.broadcast %shift_left3A_615 : i32 to vector<16xi32>
      %shift_left3A_617 = arith.shli %and3A_614, %shift_left3A_616 : vector<16xi32>
      %shift_right_logical3A_618 = arith.constant 18 : i32
      %shift_right_logical3A_619 = vector.broadcast %shift_right_logical3A_618 : i32 to vector<16xi32>
      %shift_right_logical3A_620 = arith.shrui %get3A_611, %shift_right_logical3A_619 : vector<16xi32>
      %or3A_621 = arith.ori %shift_left3A_617, %shift_right_logical3A_620 : vector<16xi32>
      %swap3A_622 = arith.constant 3 : i32
      %swap3A_623 = arith.index_cast %swap3A_622 : i32 to index
      %swap3A_624 = arith.constant 48 : index
      %swap3A_625 = tpu.vector_load %arg6[%swap3A_623, %swap3A_624] {strides = array<i32>} : memref<8x128xi32, #tpu.memory_space<vmem>>, vector<1x16xi32>,
      %swap3A_626 = vector.shape_cast %swap3A_625 : vector<1x16xi32> to vector<16xi32>
      %swap3A_627 = vector.shape_cast %or3A_621 : vector<16xi32> to vector<1x16xi32>
      tpu.vector_store %arg6[%swap3A_623, %swap3A_624], %swap3A_627 {strides = array<i32>} : memref<8x128xi32, #tpu.memory_space<vmem>>, vector<1x16xi32>,
      %get3A_628 = arith.constant 3 : i32
      %get3A_629 = arith.index_cast %get3A_628 : i32 to index
      %get3A_630 = arith.constant 64 : index
      %get3A_631 = tpu.vector_load %arg5[%get3A_629, %get3A_630] {strides = array<i32>} : memref<8x128xi32, #tpu.memory_space<vmem>>, vector<1x16xi32>,
      %get3A_632 = vector.shape_cast %get3A_631 : vector<1x16xi32> to vector<16xi32>
      %and3A_633 = arith.constant 262143 : i32
      %and3A_634 = vector.broadcast %and3A_633 : i32 to vector<16xi32>
      %and3A_635 = arith.andi %get3A_632, %and3A_634 : vector<16xi32>
      %shift_left3A_636 = arith.constant 2 : i32
      %shift_left3A_637 = vector.broadcast %shift_left3A_636 : i32 to vector<16xi32>
      %shift_left3A_638 = arith.shli %and3A_635, %shift_left3A_637 : vector<16xi32>
      %shift_right_logical3A_639 = arith.constant 18 : i32
      %shift_right_logical3A_640 = vector.broadcast %shift_right_logical3A_639 : i32 to vector<16xi32>
      %shift_right_logical3A_641 = arith.shrui %get3A_632, %shift_right_logical3A_640 : vector<16xi32>
      %or3A_642 = arith.ori %shift_left3A_638, %shift_right_logical3A_641 : vector<16xi32>
      %swap3A_643 = arith.constant 3 : i32
      %swap3A_644 = arith.index_cast %swap3A_643 : i32 to index
      %swap3A_645 = arith.constant 64 : index
      %swap3A_646 = tpu.vector_load %arg6[%swap3A_644, %swap3A_645] {strides = array<i32>} : memref<8x128xi32, #tpu.memory_space<vmem>>, vector<1x16xi32>,
      %swap3A_647 = vector.shape_cast %swap3A_646 : vector<1x16xi32> to vector<16xi32>
      %swap3A_648 = vector.shape_cast %or3A_642 : vector<16xi32> to vector<1x16xi32>
      tpu.vector_store %arg6[%swap3A_644, %swap3A_645], %swap3A_648 {strides = array<i32>} : memref<8x128xi32, #tpu.memory_space<vmem>>, vector<1x16xi32>,
      %get3A_649 = arith.constant 3 : i32
      %get3A_650 = arith.index_cast %get3A_649 : i32 to index
      %get3A_651 = arith.constant 80 : index
      %get3A_652 = tpu.vector_load %arg5[%get3A_650, %get3A_651] {strides = array<i32>} : memref<8x128xi32, #tpu.memory_space<vmem>>, vector<1x16xi32>,
      %get3A_653 = vector.shape_cast %get3A_652 : vector<1x16xi32> to vector<16xi32>
      %and3A_654 = arith.constant 262143 : i32
      %and3A_655 = vector.broadcast %and3A_654 : i32 to vector<16xi32>
      %and3A_656 = arith.andi %get3A_653, %and3A_655 : vector<16xi32>
      %shift_left3A_657 = arith.constant 2 : i32
      %shift_left3A_658 = vector.broadcast %shift_left3A_657 : i32 to vector<16xi32>
      %shift_left3A_659 = arith.shli %and3A_656, %shift_left3A_658 : vector<16xi32>
      %shift_right_logical3A_660 = arith.constant 18 : i32
      %shift_right_logical3A_661 = vector.broadcast %shift_right_logical3A_660 : i32 to vector<16xi32>
      %shift_right_logical3A_662 = arith.shrui %get3A_653, %shift_right_logical3A_661 : vector<16xi32>
      %or3A_663 = arith.ori %shift_left3A_659, %shift_right_logical3A_662 : vector<16xi32>
      %swap3A_664 = arith.constant 3 : i32
      %swap3A_665 = arith.index_cast %swap3A_664 : i32 to index
      %swap3A_666 = arith.constant 80 : index
      %swap3A_667 = tpu.vector_load %arg6[%swap3A_665, %swap3A_666] {strides = array<i32>} : memref<8x128xi32, #tpu.memory_space<vmem>>, vector<1x16xi32>,
      %swap3A_668 = vector.shape_cast %swap3A_667 : vector<1x16xi32> to vector<16xi32>
      %swap3A_669 = vector.shape_cast %or3A_663 : vector<16xi32> to vector<1x16xi32>
      tpu.vector_store %arg6[%swap3A_665, %swap3A_666], %swap3A_669 {strides = array<i32>} : memref<8x128xi32, #tpu.memory_space<vmem>>, vector<1x16xi32>,
      %get3A_670 = arith.constant 3 : i32
      %get3A_671 = arith.index_cast %get3A_670 : i32 to index
      %get3A_672 = arith.constant 96 : index
      %get3A_673 = tpu.vector_load %arg5[%get3A_671, %get3A_672] {strides = array<i32>} : memref<8x128xi32, #tpu.memory_space<vmem>>, vector<1x16xi32>,
      %get3A_674 = vector.shape_cast %get3A_673 : vector<1x16xi32> to vector<16xi32>
      %and3A_675 = arith.constant 262143 : i32
      %and3A_676 = vector.broadcast %and3A_675 : i32 to vector<16xi32>
      %and3A_677 = arith.andi %get3A_674, %and3A_676 : vector<16xi32>
      %shift_left3A_678 = arith.constant 2 : i32
      %shift_left3A_679 = vector.broadcast %shift_left3A_678 : i32 to vector<16xi32>
      %shift_left3A_680 = arith.shli %and3A_677, %shift_left3A_679 : vector<16xi32>
      %shift_right_logical3A_681 = arith.constant 18 : i32
      %shift_right_logical3A_682 = vector.broadcast %shift_right_logical3A_681 : i32 to vector<16xi32>
      %shift_right_logical3A_683 = arith.shrui %get3A_674, %shift_right_logical3A_682 : vector<16xi32>
      %or3A_684 = arith.ori %shift_left3A_680, %shift_right_logical3A_683 : vector<16xi32>
      %swap3A_685 = arith.constant 3 : i32
      %swap3A_686 = arith.index_cast %swap3A_685 : i32 to index
      %swap3A_687 = arith.constant 96 : index
      %swap3A_688 = tpu.vector_load %arg6[%swap3A_686, %swap3A_687] {strides = array<i32>} : memref<8x128xi32, #tpu.memory_space<vmem>>, vector<1x16xi32>,
      %swap3A_689 = vector.shape_cast %swap3A_688 : vector<1x16xi32> to vector<16xi32>
      %swap3A_690 = vector.shape_cast %or3A_684 : vector<16xi32> to vector<1x16xi32>
      tpu.vector_store %arg6[%swap3A_686, %swap3A_687], %swap3A_690 {strides = array<i32>} : memref<8x128xi32, #tpu.memory_space<vmem>>, vector<1x16xi32>,
      %get3A_691 = arith.constant 3 : i32
      %get3A_692 = arith.index_cast %get3A_691 : i32 to index
      %get3A_693 = arith.constant 112 : index
      %get3A_694 = tpu.vector_load %arg5[%get3A_692, %get3A_693] {strides = array<i32>} : memref<8x128xi32, #tpu.memory_space<vmem>>, vector<1x16xi32>,
      %get3A_695 = vector.shape_cast %get3A_694 : vector<1x16xi32> to vector<16xi32>
      %and3A_696 = arith.constant 262143 : i32
      %and3A_697 = vector.broadcast %and3A_696 : i32 to vector<16xi32>
      %and3A_698 = arith.andi %get3A_695, %and3A_697 : vector<16xi32>
      %shift_left3A_699 = arith.constant 2 : i32
      %shift_left3A_700 = vector.broadcast %shift_left3A_699 : i32 to vector<16xi32>
      %shift_left3A_701 = arith.shli %and3A_698, %shift_left3A_700 : vector<16xi32>
      %shift_right_logical3A_702 = arith.constant 18 : i32
      %shift_right_logical3A_703 = vector.broadcast %shift_right_logical3A_702 : i32 to vector<16xi32>
      %shift_right_logical3A_704 = arith.shrui %get3A_695, %shift_right_logical3A_703 : vector<16xi32>
      %or3A_705 = arith.ori %shift_left3A_701, %shift_right_logical3A_704 : vector<16xi32>
      %swap3A_706 = arith.constant 3 : i32
      %swap3A_707 = arith.index_cast %swap3A_706 : i32 to index
      %swap3A_708 = arith.constant 112 : index
      %swap3A_709 = tpu.vector_load %arg6[%swap3A_707, %swap3A_708] {strides = array<i32>} : memref<8x128xi32, #tpu.memory_space<vmem>>, vector<1x16xi32>,
      %swap3A_710 = vector.shape_cast %swap3A_709 : vector<1x16xi32> to vector<16xi32>
      %swap3A_711 = vector.shape_cast %or3A_705 : vector<16xi32> to vector<1x16xi32>
      tpu.vector_store %arg6[%swap3A_707, %swap3A_708], %swap3A_711 {strides = array<i32>} : memref<8x128xi32, #tpu.memory_space<vmem>>, vector<1x16xi32>,
      %get3A_712 = arith.constant 4 : i32
      %get3A_713 = arith.index_cast %get3A_712 : i32 to index
      %get3A_714 = arith.constant 0 : index
      %get3A_715 = tpu.vector_load %arg5[%get3A_713, %get3A_714] {strides = array<i32>} : memref<8x128xi32, #tpu.memory_space<vmem>>, vector<1x16xi32>,
      %get3A_716 = vector.shape_cast %get3A_715 : vector<1x16xi32> to vector<16xi32>
      %and3A_717 = arith.constant 262143 : i32
      %and3A_718 = vector.broadcast %and3A_717 : i32 to vector<16xi32>
      %and3A_719 = arith.andi %get3A_716, %and3A_718 : vector<16xi32>
      %shift_left3A_720 = arith.constant 2 : i32
      %shift_left3A_721 = vector.broadcast %shift_left3A_720 : i32 to vector<16xi32>
      %shift_left3A_722 = arith.shli %and3A_719, %shift_left3A_721 : vector<16xi32>
      %shift_right_logical3A_723 = arith.constant 18 : i32
      %shift_right_logical3A_724 = vector.broadcast %shift_right_logical3A_723 : i32 to vector<16xi32>
      %shift_right_logical3A_725 = arith.shrui %get3A_716, %shift_right_logical3A_724 : vector<16xi32>
      %or3A_726 = arith.ori %shift_left3A_722, %shift_right_logical3A_725 : vector<16xi32>
      %swap3A_727 = arith.constant 4 : i32
      %swap3A_728 = arith.index_cast %swap3A_727 : i32 to index
      %swap3A_729 = arith.constant 0 : index
      %swap3A_730 = tpu.vector_load %arg6[%swap3A_728, %swap3A_729] {strides = array<i32>} : memref<8x128xi32, #tpu.memory_space<vmem>>, vector<1x16xi32>,
      %swap3A_731 = vector.shape_cast %swap3A_730 : vector<1x16xi32> to vector<16xi32>
      %swap3A_732 = vector.shape_cast %or3A_726 : vector<16xi32> to vector<1x16xi32>
      tpu.vector_store %arg6[%swap3A_728, %swap3A_729], %swap3A_732 {strides = array<i32>} : memref<8x128xi32, #tpu.memory_space<vmem>>, vector<1x16xi32>,
      %get3A_733 = arith.constant 4 : i32
      %get3A_734 = arith.index_cast %get3A_733 : i32 to index
      %get3A_735 = arith.constant 16 : index
      %get3A_736 = tpu.vector_load %arg5[%get3A_734, %get3A_735] {strides = array<i32>} : memref<8x128xi32, #tpu.memory_space<vmem>>, vector<1x16xi32>,
      %get3A_737 = vector.shape_cast %get3A_736 : vector<1x16xi32> to vector<16xi32>
      %and3A_738 = arith.constant 262143 : i32
      %and3A_739 = vector.broadcast %and3A_738 : i32 to vector<16xi32>
      %and3A_740 = arith.andi %get3A_737, %and3A_739 : vector<16xi32>
      %shift_left3A_741 = arith.constant 2 : i32
      %shift_left3A_742 = vector.broadcast %shift_left3A_741 : i32 to vector<16xi32>
      %shift_left3A_743 = arith.shli %and3A_740, %shift_left3A_742 : vector<16xi32>
      %shift_right_logical3A_744 = arith.constant 18 : i32
      %shift_right_logical3A_745 = vector.broadcast %shift_right_logical3A_744 : i32 to vector<16xi32>
      %shift_right_logical3A_746 = arith.shrui %get3A_737, %shift_right_logical3A_745 : vector<16xi32>
      %or3A_747 = arith.ori %shift_left3A_743, %shift_right_logical3A_746 : vector<16xi32>
      %swap3A_748 = arith.constant 4 : i32
      %swap3A_749 = arith.index_cast %swap3A_748 : i32 to index
      %swap3A_750 = arith.constant 16 : index
      %swap3A_751 = tpu.vector_load %arg6[%swap3A_749, %swap3A_750] {strides = array<i32>} : memref<8x128xi32, #tpu.memory_space<vmem>>, vector<1x16xi32>,
      %swap3A_752 = vector.shape_cast %swap3A_751 : vector<1x16xi32> to vector<16xi32>
      %swap3A_753 = vector.shape_cast %or3A_747 : vector<16xi32> to vector<1x16xi32>
      tpu.vector_store %arg6[%swap3A_749, %swap3A_750], %swap3A_753 {strides = array<i32>} : memref<8x128xi32, #tpu.memory_space<vmem>>, vector<1x16xi32>,
      %get3A_754 = arith.constant 4 : i32
      %get3A_755 = arith.index_cast %get3A_754 : i32 to index
      %get3A_756 = arith.constant 32 : index
      %get3A_757 = tpu.vector_load %arg5[%get3A_755, %get3A_756] {strides = array<i32>} : memref<8x128xi32, #tpu.memory_space<vmem>>, vector<1x16xi32>,
      %get3A_758 = vector.shape_cast %get3A_757 : vector<1x16xi32> to vector<16xi32>
      %and3A_759 = arith.constant 262143 : i32
      %and3A_760 = vector.broadcast %and3A_759 : i32 to vector<16xi32>
      %and3A_761 = arith.andi %get3A_758, %and3A_760 : vector<16xi32>
      %shift_left3A_762 = arith.constant 2 : i32
      %shift_left3A_763 = vector.broadcast %shift_left3A_762 : i32 to vector<16xi32>
      %shift_left3A_764 = arith.shli %and3A_761, %shift_left3A_763 : vector<16xi32>
      %shift_right_logical3A_765 = arith.constant 18 : i32
      %shift_right_logical3A_766 = vector.broadcast %shift_right_logical3A_765 : i32 to vector<16xi32>
      %shift_right_logical3A_767 = arith.shrui %get3A_758, %shift_right_logical3A_766 : vector<16xi32>
      %or3A_768 = arith.ori %shift_left3A_764, %shift_right_logical3A_767 : vector<16xi32>
      %swap3A_769 = arith.constant 4 : i32
      %swap3A_770 = arith.index_cast %swap3A_769 : i32 to index
      %swap3A_771 = arith.constant 32 : index
      %swap3A_772 = tpu.vector_load %arg6[%swap3A_770, %swap3A_771] {strides = array<i32>} : memref<8x128xi32, #tpu.memory_space<vmem>>, vector<1x16xi32>,
      %swap3A_773 = vector.shape_cast %swap3A_772 : vector<1x16xi32> to vector<16xi32>
      %swap3A_774 = vector.shape_cast %or3A_768 : vector<16xi32> to vector<1x16xi32>
      tpu.vector_store %arg6[%swap3A_770, %swap3A_771], %swap3A_774 {strides = array<i32>} : memref<8x128xi32, #tpu.memory_space<vmem>>, vector<1x16xi32>,
      %get3A_775 = arith.constant 4 : i32
      %get3A_776 = arith.index_cast %get3A_775 : i32 to index
      %get3A_777 = arith.constant 48 : index
      %get3A_778 = tpu.vector_load %arg5[%get3A_776, %get3A_777] {strides = array<i32>} : memref<8x128xi32, #tpu.memory_space<vmem>>, vector<1x16xi32>,
      %get3A_779 = vector.shape_cast %get3A_778 : vector<1x16xi32> to vector<16xi32>
      %and3A_780 = arith.constant 262143 : i32
      %and3A_781 = vector.broadcast %and3A_780 : i32 to vector<16xi32>
      %and3A_782 = arith.andi %get3A_779, %and3A_781 : vector<16xi32>
      %shift_left3A_783 = arith.constant 2 : i32
      %shift_left3A_784 = vector.broadcast %shift_left3A_783 : i32 to vector<16xi32>
      %shift_left3A_785 = arith.shli %and3A_782, %shift_left3A_784 : vector<16xi32>
      %shift_right_logical3A_786 = arith.constant 18 : i32
      %shift_right_logical3A_787 = vector.broadcast %shift_right_logical3A_786 : i32 to vector<16xi32>
      %shift_right_logical3A_788 = arith.shrui %get3A_779, %shift_right_logical3A_787 : vector<16xi32>
      %or3A_789 = arith.ori %shift_left3A_785, %shift_right_logical3A_788 : vector<16xi32>
      %swap3A_790 = arith.constant 4 : i32
      %swap3A_791 = arith.index_cast %swap3A_790 : i32 to index
      %swap3A_792 = arith.constant 48 : index
      %swap3A_793 = tpu.vector_load %arg6[%swap3A_791, %swap3A_792] {strides = array<i32>} : memref<8x128xi32, #tpu.memory_space<vmem>>, vector<1x16xi32>,
      %swap3A_794 = vector.shape_cast %swap3A_793 : vector<1x16xi32> to vector<16xi32>
      %swap3A_795 = vector.shape_cast %or3A_789 : vector<16xi32> to vector<1x16xi32>
      tpu.vector_store %arg6[%swap3A_791, %swap3A_792], %swap3A_795 {strides = array<i32>} : memref<8x128xi32, #tpu.memory_space<vmem>>, vector<1x16xi32>,
      %get3A_796 = arith.constant 4 : i32
      %get3A_797 = arith.index_cast %get3A_796 : i32 to index
      %get3A_798 = arith.constant 64 : index
      %get3A_799 = tpu.vector_load %arg5[%get3A_797, %get3A_798] {strides = array<i32>} : memref<8x128xi32, #tpu.memory_space<vmem>>, vector<1x16xi32>,
      %get3A_800 = vector.shape_cast %get3A_799 : vector<1x16xi32> to vector<16xi32>
      %and3A_801 = arith.constant 262143 : i32
      %and3A_802 = vector.broadcast %and3A_801 : i32 to vector<16xi32>
      %and3A_803 = arith.andi %get3A_800, %and3A_802 : vector<16xi32>
      %shift_left3A_804 = arith.constant 2 : i32
      %shift_left3A_805 = vector.broadcast %shift_left3A_804 : i32 to vector<16xi32>
      %shift_left3A_806 = arith.shli %and3A_803, %shift_left3A_805 : vector<16xi32>
      %shift_right_logical3A_807 = arith.constant 18 : i32
      %shift_right_logical3A_808 = vector.broadcast %shift_right_logical3A_807 : i32 to vector<16xi32>
      %shift_right_logical3A_809 = arith.shrui %get3A_800, %shift_right_logical3A_808 : vector<16xi32>
      %or3A_810 = arith.ori %shift_left3A_806, %shift_right_logical3A_809 : vector<16xi32>
      %swap3A_811 = arith.constant 4 : i32
      %swap3A_812 = arith.index_cast %swap3A_811 : i32 to index
      %swap3A_813 = arith.constant 64 : index
      %swap3A_814 = tpu.vector_load %arg6[%swap3A_812, %swap3A_813] {strides = array<i32>} : memref<8x128xi32, #tpu.memory_space<vmem>>, vector<1x16xi32>,
      %swap3A_815 = vector.shape_cast %swap3A_814 : vector<1x16xi32> to vector<16xi32>
      %swap3A_816 = vector.shape_cast %or3A_810 : vector<16xi32> to vector<1x16xi32>
      tpu.vector_store %arg6[%swap3A_812, %swap3A_813], %swap3A_816 {strides = array<i32>} : memref<8x128xi32, #tpu.memory_space<vmem>>, vector<1x16xi32>,
      %get3A_817 = arith.constant 4 : i32
      %get3A_818 = arith.index_cast %get3A_817 : i32 to index
      %get3A_819 = arith.constant 80 : index
      %get3A_820 = tpu.vector_load %arg5[%get3A_818, %get3A_819] {strides = array<i32>} : memref<8x128xi32, #tpu.memory_space<vmem>>, vector<1x16xi32>,
      %get3A_821 = vector.shape_cast %get3A_820 : vector<1x16xi32> to vector<16xi32>
      %and3A_822 = arith.constant 262143 : i32
      %and3A_823 = vector.broadcast %and3A_822 : i32 to vector<16xi32>
      %and3A_824 = arith.andi %get3A_821, %and3A_823 : vector<16xi32>
      %shift_left3A_825 = arith.constant 2 : i32
      %shift_left3A_826 = vector.broadcast %shift_left3A_825 : i32 to vector<16xi32>
      %shift_left3A_827 = arith.shli %and3A_824, %shift_left3A_826 : vector<16xi32>
      %shift_right_logical3A_828 = arith.constant 18 : i32
      %shift_right_logical3A_829 = vector.broadcast %shift_right_logical3A_828 : i32 to vector<16xi32>
      %shift_right_logical3A_830 = arith.shrui %get3A_821, %shift_right_logical3A_829 : vector<16xi32>
      %or3A_831 = arith.ori %shift_left3A_827, %shift_right_logical3A_830 : vector<16xi32>
      %swap3A_832 = arith.constant 4 : i32
      %swap3A_833 = arith.index_cast %swap3A_832 : i32 to index
      %swap3A_834 = arith.constant 80 : index
      %swap3A_835 = tpu.vector_load %arg6[%swap3A_833, %swap3A_834] {strides = array<i32>} : memref<8x128xi32, #tpu.memory_space<vmem>>, vector<1x16xi32>,
      %swap3A_836 = vector.shape_cast %swap3A_835 : vector<1x16xi32> to vector<16xi32>
      %swap3A_837 = vector.shape_cast %or3A_831 : vector<16xi32> to vector<1x16xi32>
      tpu.vector_store %arg6[%swap3A_833, %swap3A_834], %swap3A_837 {strides = array<i32>} : memref<8x128xi32, #tpu.memory_space<vmem>>, vector<1x16xi32>,
      %get3A_838 = arith.constant 4 : i32
      %get3A_839 = arith.index_cast %get3A_838 : i32 to index
      %get3A_840 = arith.constant 96 : index
      %get3A_841 = tpu.vector_load %arg5[%get3A_839, %get3A_840] {strides = array<i32>} : memref<8x128xi32, #tpu.memory_space<vmem>>, vector<1x16xi32>,
      %get3A_842 = vector.shape_cast %get3A_841 : vector<1x16xi32> to vector<16xi32>
      %and3A_843 = arith.constant 262143 : i32
      %and3A_844 = vector.broadcast %and3A_843 : i32 to vector<16xi32>
      %and3A_845 = arith.andi %get3A_842, %and3A_844 : vector<16xi32>
      %shift_left3A_846 = arith.constant 2 : i32
      %shift_left3A_847 = vector.broadcast %shift_left3A_846 : i32 to vector<16xi32>
      %shift_left3A_848 = arith.shli %and3A_845, %shift_left3A_847 : vector<16xi32>
      %shift_right_logical3A_849 = arith.constant 18 : i32
      %shift_right_logical3A_850 = vector.broadcast %shift_right_logical3A_849 : i32 to vector<16xi32>
      %shift_right_logical3A_851 = arith.shrui %get3A_842, %shift_right_logical3A_850 : vector<16xi32>
      %or3A_852 = arith.ori %shift_left3A_848, %shift_right_logical3A_851 : vector<16xi32>
      %swap3A_853 = arith.constant 4 : i32
      %swap3A_854 = arith.index_cast %swap3A_853 : i32 to index
      %swap3A_855 = arith.constant 96 : index
      %swap3A_856 = tpu.vector_load %arg6[%swap3A_854, %swap3A_855] {strides = array<i32>} : memref<8x128xi32, #tpu.memory_space<vmem>>, vector<1x16xi32>,
      %swap3A_857 = vector.shape_cast %swap3A_856 : vector<1x16xi32> to vector<16xi32>
      %swap3A_858 = vector.shape_cast %or3A_852 : vector<16xi32> to vector<1x16xi32>
      tpu.vector_store %arg6[%swap3A_854, %swap3A_855], %swap3A_858 {strides = array<i32>} : memref<8x128xi32, #tpu.memory_space<vmem>>, vector<1x16xi32>,
      %get3A_859 = arith.constant 4 : i32
      %get3A_860 = arith.index_cast %get3A_859 : i32 to index
      %get3A_861 = arith.constant 112 : index
      %get3A_862 = tpu.vector_load %arg5[%get3A_860, %get3A_861] {strides = array<i32>} : memref<8x128xi32, #tpu.memory_space<vmem>>, vector<1x16xi32>,
      %get3A_863 = vector.shape_cast %get3A_862 : vector<1x16xi32> to vector<16xi32>
      %and3A_864 = arith.constant 262143 : i32
      %and3A_865 = vector.broadcast %and3A_864 : i32 to vector<16xi32>
      %and3A_866 = arith.andi %get3A_863, %and3A_865 : vector<16xi32>
      %shift_left3A_867 = arith.constant 2 : i32
      %shift_left3A_868 = vector.broadcast %shift_left3A_867 : i32 to vector<16xi32>
      %shift_left3A_869 = arith.shli %and3A_866, %shift_left3A_868 : vector<16xi32>
      %shift_right_logical3A_870 = arith.constant 18 : i32
      %shift_right_logical3A_871 = vector.broadcast %shift_right_logical3A_870 : i32 to vector<16xi32>
      %shift_right_logical3A_872 = arith.shrui %get3A_863, %shift_right_logical3A_871 : vector<16xi32>
      %or3A_873 = arith.ori %shift_left3A_869, %shift_right_logical3A_872 : vector<16xi32>
      %swap3A_874 = arith.constant 4 : i32
      %swap3A_875 = arith.index_cast %swap3A_874 : i32 to index
      %swap3A_876 = arith.constant 112 : index
      %swap3A_877 = tpu.vector_load %arg6[%swap3A_875, %swap3A_876] {strides = array<i32>} : memref<8x128xi32, #tpu.memory_space<vmem>>, vector<1x16xi32>,
      %swap3A_878 = vector.shape_cast %swap3A_877 : vector<1x16xi32> to vector<16xi32>
      %swap3A_879 = vector.shape_cast %or3A_873 : vector<16xi32> to vector<1x16xi32>
      tpu.vector_store %arg6[%swap3A_875, %swap3A_876], %swap3A_879 {strides = array<i32>} : memref<8x128xi32, #tpu.memory_space<vmem>>, vector<1x16xi32>,
      %get3A_880 = arith.constant 5 : i32
      %get3A_881 = arith.index_cast %get3A_880 : i32 to index
      %get3A_882 = arith.constant 0 : index
      %get3A_883 = tpu.vector_load %arg5[%get3A_881, %get3A_882] {strides = array<i32>} : memref<8x128xi32, #tpu.memory_space<vmem>>, vector<1x16xi32>,
      %get3A_884 = vector.shape_cast %get3A_883 : vector<1x16xi32> to vector<16xi32>
      %and3A_885 = arith.constant 262143 : i32
      %and3A_886 = vector.broadcast %and3A_885 : i32 to vector<16xi32>
      %and3A_887 = arith.andi %get3A_884, %and3A_886 : vector<16xi32>
      %shift_left3A_888 = arith.constant 2 : i32
      %shift_left3A_889 = vector.broadcast %shift_left3A_888 : i32 to vector<16xi32>
      %shift_left3A_890 = arith.shli %and3A_887, %shift_left3A_889 : vector<16xi32>
      %shift_right_logical3A_891 = arith.constant 18 : i32
      %shift_right_logical3A_892 = vector.broadcast %shift_right_logical3A_891 : i32 to vector<16xi32>
      %shift_right_logical3A_893 = arith.shrui %get3A_884, %shift_right_logical3A_892 : vector<16xi32>
      %or3A_894 = arith.ori %shift_left3A_890, %shift_right_logical3A_893 : vector<16xi32>
      %swap3A_895 = arith.constant 5 : i32
      %swap3A_896 = arith.index_cast %swap3A_895 : i32 to index
      %swap3A_897 = arith.constant 0 : index
      %swap3A_898 = tpu.vector_load %arg6[%swap3A_896, %swap3A_897] {strides = array<i32>} : memref<8x128xi32, #tpu.memory_space<vmem>>, vector<1x16xi32>,
      %swap3A_899 = vector.shape_cast %swap3A_898 : vector<1x16xi32> to vector<16xi32>
      %swap3A_900 = vector.shape_cast %or3A_894 : vector<16xi32> to vector<1x16xi32>
      tpu.vector_store %arg6[%swap3A_896, %swap3A_897], %swap3A_900 {strides = array<i32>} : memref<8x128xi32, #tpu.memory_space<vmem>>, vector<1x16xi32>,
      %get3A_901 = arith.constant 5 : i32
      %get3A_902 = arith.index_cast %get3A_901 : i32 to index
      %get3A_903 = arith.constant 16 : index
      %get3A_904 = tpu.vector_load %arg5[%get3A_902, %get3A_903] {strides = array<i32>} : memref<8x128xi32, #tpu.memory_space<vmem>>, vector<1x16xi32>,
      %get3A_905 = vector.shape_cast %get3A_904 : vector<1x16xi32> to vector<16xi32>
      %and3A_906 = arith.constant 262143 : i32
      %and3A_907 = vector.broadcast %and3A_906 : i32 to vector<16xi32>
      %and3A_908 = arith.andi %get3A_905, %and3A_907 : vector<16xi32>
      %shift_left3A_909 = arith.constant 2 : i32
      %shift_left3A_910 = vector.broadcast %shift_left3A_909 : i32 to vector<16xi32>
      %shift_left3A_911 = arith.shli %and3A_908, %shift_left3A_910 : vector<16xi32>
      %shift_right_logical3A_912 = arith.constant 18 : i32
      %shift_right_logical3A_913 = vector.broadcast %shift_right_logical3A_912 : i32 to vector<16xi32>
      %shift_right_logical3A_914 = arith.shrui %get3A_905, %shift_right_logical3A_913 : vector<16xi32>
      %or3A_915 = arith.ori %shift_left3A_911, %shift_right_logical3A_914 : vector<16xi32>
      %swap3A_916 = arith.constant 5 : i32
      %swap3A_917 = arith.index_cast %swap3A_916 : i32 to index
      %swap3A_918 = arith.constant 16 : index
      %swap3A_919 = tpu.vector_load %arg6[%swap3A_917, %swap3A_918] {strides = array<i32>} : memref<8x128xi32, #tpu.memory_space<vmem>>, vector<1x16xi32>,
      %swap3A_920 = vector.shape_cast %swap3A_919 : vector<1x16xi32> to vector<16xi32>
      %swap3A_921 = vector.shape_cast %or3A_915 : vector<16xi32> to vector<1x16xi32>
      tpu.vector_store %arg6[%swap3A_917, %swap3A_918], %swap3A_921 {strides = array<i32>} : memref<8x128xi32, #tpu.memory_space<vmem>>, vector<1x16xi32>,
      %get3A_922 = arith.constant 5 : i32
      %get3A_923 = arith.index_cast %get3A_922 : i32 to index
      %get3A_924 = arith.constant 32 : index
      %get3A_925 = tpu.vector_load %arg5[%get3A_923, %get3A_924] {strides = array<i32>} : memref<8x128xi32, #tpu.memory_space<vmem>>, vector<1x16xi32>,
      %get3A_926 = vector.shape_cast %get3A_925 : vector<1x16xi32> to vector<16xi32>
      %and3A_927 = arith.constant 262143 : i32
      %and3A_928 = vector.broadcast %and3A_927 : i32 to vector<16xi32>
      %and3A_929 = arith.andi %get3A_926, %and3A_928 : vector<16xi32>
      %shift_left3A_930 = arith.constant 2 : i32
      %shift_left3A_931 = vector.broadcast %shift_left3A_930 : i32 to vector<16xi32>
      %shift_left3A_932 = arith.shli %and3A_929, %shift_left3A_931 : vector<16xi32>
      %shift_right_logical3A_933 = arith.constant 18 : i32
      %shift_right_logical3A_934 = vector.broadcast %shift_right_logical3A_933 : i32 to vector<16xi32>
      %shift_right_logical3A_935 = arith.shrui %get3A_926, %shift_right_logical3A_934 : vector<16xi32>
      %or3A_936 = arith.ori %shift_left3A_932, %shift_right_logical3A_935 : vector<16xi32>
      %swap3A_937 = arith.constant 5 : i32
      %swap3A_938 = arith.index_cast %swap3A_937 : i32 to index
      %swap3A_939 = arith.constant 32 : index
      %swap3A_940 = tpu.vector_load %arg6[%swap3A_938, %swap3A_939] {strides = array<i32>} : memref<8x128xi32, #tpu.memory_space<vmem>>, vector<1x16xi32>,
      %swap3A_941 = vector.shape_cast %swap3A_940 : vector<1x16xi32> to vector<16xi32>
      %swap3A_942 = vector.shape_cast %or3A_936 : vector<16xi32> to vector<1x16xi32>
      tpu.vector_store %arg6[%swap3A_938, %swap3A_939], %swap3A_942 {strides = array<i32>} : memref<8x128xi32, #tpu.memory_space<vmem>>, vector<1x16xi32>,
      %get3A_943 = arith.constant 5 : i32
      %get3A_944 = arith.index_cast %get3A_943 : i32 to index
      %get3A_945 = arith.constant 48 : index
      %get3A_946 = tpu.vector_load %arg5[%get3A_944, %get3A_945] {strides = array<i32>} : memref<8x128xi32, #tpu.memory_space<vmem>>, vector<1x16xi32>,
      %get3A_947 = vector.shape_cast %get3A_946 : vector<1x16xi32> to vector<16xi32>
      %and3A_948 = arith.constant 262143 : i32
      %and3A_949 = vector.broadcast %and3A_948 : i32 to vector<16xi32>
      %and3A_950 = arith.andi %get3A_947, %and3A_949 : vector<16xi32>
      %shift_left3A_951 = arith.constant 2 : i32
      %shift_left3A_952 = vector.broadcast %shift_left3A_951 : i32 to vector<16xi32>
      %shift_left3A_953 = arith.shli %and3A_950, %shift_left3A_952 : vector<16xi32>
      %shift_right_logical3A_954 = arith.constant 18 : i32
      %shift_right_logical3A_955 = vector.broadcast %shift_right_logical3A_954 : i32 to vector<16xi32>
      %shift_right_logical3A_956 = arith.shrui %get3A_947, %shift_right_logical3A_955 : vector<16xi32>
      %or3A_957 = arith.ori %shift_left3A_953, %shift_right_logical3A_956 : vector<16xi32>
      %swap3A_958 = arith.constant 5 : i32
      %swap3A_959 = arith.index_cast %swap3A_958 : i32 to index
      %swap3A_960 = arith.constant 48 : index
      %swap3A_961 = tpu.vector_load %arg6[%swap3A_959, %swap3A_960] {strides = array<i32>} : memref<8x128xi32, #tpu.memory_space<vmem>>, vector<1x16xi32>,
      %swap3A_962 = vector.shape_cast %swap3A_961 : vector<1x16xi32> to vector<16xi32>
      %swap3A_963 = vector.shape_cast %or3A_957 : vector<16xi32> to vector<1x16xi32>
      tpu.vector_store %arg6[%swap3A_959, %swap3A_960], %swap3A_963 {strides = array<i32>} : memref<8x128xi32, #tpu.memory_space<vmem>>, vector<1x16xi32>,
      %get3A_964 = arith.constant 5 : i32
      %get3A_965 = arith.index_cast %get3A_964 : i32 to index
      %get3A_966 = arith.constant 64 : index
      %get3A_967 = tpu.vector_load %arg5[%get3A_965, %get3A_966] {strides = array<i32>} : memref<8x128xi32, #tpu.memory_space<vmem>>, vector<1x16xi32>,
      %get3A_968 = vector.shape_cast %get3A_967 : vector<1x16xi32> to vector<16xi32>
      %and3A_969 = arith.constant 262143 : i32
      %and3A_970 = vector.broadcast %and3A_969 : i32 to vector<16xi32>
      %and3A_971 = arith.andi %get3A_968, %and3A_970 : vector<16xi32>
      %shift_left3A_972 = arith.constant 2 : i32
      %shift_left3A_973 = vector.broadcast %shift_left3A_972 : i32 to vector<16xi32>
      %shift_left3A_974 = arith.shli %and3A_971, %shift_left3A_973 : vector<16xi32>
      %shift_right_logical3A_975 = arith.constant 18 : i32
      %shift_right_logical3A_976 = vector.broadcast %shift_right_logical3A_975 : i32 to vector<16xi32>
      %shift_right_logical3A_977 = arith.shrui %get3A_968, %shift_right_logical3A_976 : vector<16xi32>
      %or3A_978 = arith.ori %shift_left3A_974, %shift_right_logical3A_977 : vector<16xi32>
      %swap3A_979 = arith.constant 5 : i32
      %swap3A_980 = arith.index_cast %swap3A_979 : i32 to index
      %swap3A_981 = arith.constant 64 : index
      %swap3A_982 = tpu.vector_load %arg6[%swap3A_980, %swap3A_981] {strides = array<i32>} : memref<8x128xi32, #tpu.memory_space<vmem>>, vector<1x16xi32>,
      %swap3A_983 = vector.shape_cast %swap3A_982 : vector<1x16xi32> to vector<16xi32>
      %swap3A_984 = vector.shape_cast %or3A_978 : vector<16xi32> to vector<1x16xi32>
      tpu.vector_store %arg6[%swap3A_980, %swap3A_981], %swap3A_984 {strides = array<i32>} : memref<8x128xi32, #tpu.memory_space<vmem>>, vector<1x16xi32>,
      %get3A_985 = arith.constant 5 : i32
      %get3A_986 = arith.index_cast %get3A_985 : i32 to index
      %get3A_987 = arith.constant 80 : index
      %get3A_988 = tpu.vector_load %arg5[%get3A_986, %get3A_987] {strides = array<i32>} : memref<8x128xi32, #tpu.memory_space<vmem>>, vector<1x16xi32>,
      %get3A_989 = vector.shape_cast %get3A_988 : vector<1x16xi32> to vector<16xi32>
      %and3A_990 = arith.constant 262143 : i32
      %and3A_991 = vector.broadcast %and3A_990 : i32 to vector<16xi32>
      %and3A_992 = arith.andi %get3A_989, %and3A_991 : vector<16xi32>
      %shift_left3A_993 = arith.constant 2 : i32
      %shift_left3A_994 = vector.broadcast %shift_left3A_993 : i32 to vector<16xi32>
      %shift_left3A_995 = arith.shli %and3A_992, %shift_left3A_994 : vector<16xi32>
      %shift_right_logical3A_996 = arith.constant 18 : i32
      %shift_right_logical3A_997 = vector.broadcast %shift_right_logical3A_996 : i32 to vector<16xi32>
      %shift_right_logical3A_998 = arith.shrui %get3A_989, %shift_right_logical3A_997 : vector<16xi32>
      %or3A_999 = arith.ori %shift_left3A_995, %shift_right_logical3A_998 : vector<16xi32>
      %swap3A_1000 = arith.constant 5 : i32
      %swap3A_1001 = arith.index_cast %swap3A_1000 : i32 to index
      %swap3A_1002 = arith.constant 80 : index
      %swap3A_1003 = tpu.vector_load %arg6[%swap3A_1001, %swap3A_1002] {strides = array<i32>} : memref<8x128xi32, #tpu.memory_space<vmem>>, vector<1x16xi32>,
      %swap3A_1004 = vector.shape_cast %swap3A_1003 : vector<1x16xi32> to vector<16xi32>
      %swap3A_1005 = vector.shape_cast %or3A_999 : vector<16xi32> to vector<1x16xi32>
      tpu.vector_store %arg6[%swap3A_1001, %swap3A_1002], %swap3A_1005 {strides = array<i32>} : memref<8x128xi32, #tpu.memory_space<vmem>>, vector<1x16xi32>,
      %get3A_1006 = arith.constant 5 : i32
      %get3A_1007 = arith.index_cast %get3A_1006 : i32 to index
      %get3A_1008 = arith.constant 96 : index
      %get3A_1009 = tpu.vector_load %arg5[%get3A_1007, %get3A_1008] {strides = array<i32>} : memref<8x128xi32, #tpu.memory_space<vmem>>, vector<1x16xi32>,
      %get3A_1010 = vector.shape_cast %get3A_1009 : vector<1x16xi32> to vector<16xi32>
      %and3A_1011 = arith.constant 262143 : i32
      %and3A_1012 = vector.broadcast %and3A_1011 : i32 to vector<16xi32>
      %and3A_1013 = arith.andi %get3A_1010, %and3A_1012 : vector<16xi32>
      %shift_left3A_1014 = arith.constant 2 : i32
      %shift_left3A_1015 = vector.broadcast %shift_left3A_1014 : i32 to vector<16xi32>
      %shift_left3A_1016 = arith.shli %and3A_1013, %shift_left3A_1015 : vector<16xi32>
      %shift_right_logical3A_1017 = arith.constant 18 : i32
      %shift_right_logical3A_1018 = vector.broadcast %shift_right_logical3A_1017 : i32 to vector<16xi32>
      %shift_right_logical3A_1019 = arith.shrui %get3A_1010, %shift_right_logical3A_1018 : vector<16xi32>
      %or3A_1020 = arith.ori %shift_left3A_1016, %shift_right_logical3A_1019 : vector<16xi32>
      %swap3A_1021 = arith.constant 5 : i32
      %swap3A_1022 = arith.index_cast %swap3A_1021 : i32 to index
      %swap3A_1023 = arith.constant 96 : index
      %swap3A_1024 = tpu.vector_load %arg6[%swap3A_1022, %swap3A_1023] {strides = array<i32>} : memref<8x128xi32, #tpu.memory_space<vmem>>, vector<1x16xi32>,
      %swap3A_1025 = vector.shape_cast %swap3A_1024 : vector<1x16xi32> to vector<16xi32>
      %swap3A_1026 = vector.shape_cast %or3A_1020 : vector<16xi32> to vector<1x16xi32>
      tpu.vector_store %arg6[%swap3A_1022, %swap3A_1023], %swap3A_1026 {strides = array<i32>} : memref<8x128xi32, #tpu.memory_space<vmem>>, vector<1x16xi32>,
      %get3A_1027 = arith.constant 5 : i32
      %get3A_1028 = arith.index_cast %get3A_1027 : i32 to index
      %get3A_1029 = arith.constant 112 : index
      %get3A_1030 = tpu.vector_load %arg5[%get3A_1028, %get3A_1029] {strides = array<i32>} : memref<8x128xi32, #tpu.memory_space<vmem>>, vector<1x16xi32>,
      %get3A_1031 = vector.shape_cast %get3A_1030 : vector<1x16xi32> to vector<16xi32>
      %and3A_1032 = arith.constant 262143 : i32
      %and3A_1033 = vector.broadcast %and3A_1032 : i32 to vector<16xi32>
      %and3A_1034 = arith.andi %get3A_1031, %and3A_1033 : vector<16xi32>
      %shift_left3A_1035 = arith.constant 2 : i32
      %shift_left3A_1036 = vector.broadcast %shift_left3A_1035 : i32 to vector<16xi32>
      %shift_left3A_1037 = arith.shli %and3A_1034, %shift_left3A_1036 : vector<16xi32>
      %shift_right_logical3A_1038 = arith.constant 18 : i32
      %shift_right_logical3A_1039 = vector.broadcast %shift_right_logical3A_1038 : i32 to vector<16xi32>
      %shift_right_logical3A_1040 = arith.shrui %get3A_1031, %shift_right_logical3A_1039 : vector<16xi32>
      %or3A_1041 = arith.ori %shift_left3A_1037, %shift_right_logical3A_1040 : vector<16xi32>
      %swap3A_1042 = arith.constant 5 : i32
      %swap3A_1043 = arith.index_cast %swap3A_1042 : i32 to index
      %swap3A_1044 = arith.constant 112 : index
      %swap3A_1045 = tpu.vector_load %arg6[%swap3A_1043, %swap3A_1044] {strides = array<i32>} : memref<8x128xi32, #tpu.memory_space<vmem>>, vector<1x16xi32>,
      %swap3A_1046 = vector.shape_cast %swap3A_1045 : vector<1x16xi32> to vector<16xi32>
      %swap3A_1047 = vector.shape_cast %or3A_1041 : vector<16xi32> to vector<1x16xi32>
      tpu.vector_store %arg6[%swap3A_1043, %swap3A_1044], %swap3A_1047 {strides = array<i32>} : memref<8x128xi32, #tpu.memory_space<vmem>>, vector<1x16xi32>,
      %get3A_1048 = arith.constant 6 : i32
      %get3A_1049 = arith.index_cast %get3A_1048 : i32 to index
      %get3A_1050 = arith.constant 0 : index
      %get3A_1051 = tpu.vector_load %arg5[%get3A_1049, %get3A_1050] {strides = array<i32>} : memref<8x128xi32, #tpu.memory_space<vmem>>, vector<1x16xi32>,
      %get3A_1052 = vector.shape_cast %get3A_1051 : vector<1x16xi32> to vector<16xi32>
      %and3A_1053 = arith.constant 262143 : i32
      %and3A_1054 = vector.broadcast %and3A_1053 : i32 to vector<16xi32>
      %and3A_1055 = arith.andi %get3A_1052, %and3A_1054 : vector<16xi32>
      %shift_left3A_1056 = arith.constant 2 : i32
      %shift_left3A_1057 = vector.broadcast %shift_left3A_1056 : i32 to vector<16xi32>
      %shift_left3A_1058 = arith.shli %and3A_1055, %shift_left3A_1057 : vector<16xi32>
      %shift_right_logical3A_1059 = arith.constant 18 : i32
      %shift_right_logical3A_1060 = vector.broadcast %shift_right_logical3A_1059 : i32 to vector<16xi32>
      %shift_right_logical3A_1061 = arith.shrui %get3A_1052, %shift_right_logical3A_1060 : vector<16xi32>
      %or3A_1062 = arith.ori %shift_left3A_1058, %shift_right_logical3A_1061 : vector<16xi32>
      %swap3A_1063 = arith.constant 6 : i32
      %swap3A_1064 = arith.index_cast %swap3A_1063 : i32 to index
      %swap3A_1065 = arith.constant 0 : index
      %swap3A_1066 = tpu.vector_load %arg6[%swap3A_1064, %swap3A_1065] {strides = array<i32>} : memref<8x128xi32, #tpu.memory_space<vmem>>, vector<1x16xi32>,
      %swap3A_1067 = vector.shape_cast %swap3A_1066 : vector<1x16xi32> to vector<16xi32>
      %swap3A_1068 = vector.shape_cast %or3A_1062 : vector<16xi32> to vector<1x16xi32>
      tpu.vector_store %arg6[%swap3A_1064, %swap3A_1065], %swap3A_1068 {strides = array<i32>} : memref<8x128xi32, #tpu.memory_space<vmem>>, vector<1x16xi32>,
      %get3A_1069 = arith.constant 6 : i32
      %get3A_1070 = arith.index_cast %get3A_1069 : i32 to index
      %get3A_1071 = arith.constant 16 : index
      %get3A_1072 = tpu.vector_load %arg5[%get3A_1070, %get3A_1071] {strides = array<i32>} : memref<8x128xi32, #tpu.memory_space<vmem>>, vector<1x16xi32>,
      %get3A_1073 = vector.shape_cast %get3A_1072 : vector<1x16xi32> to vector<16xi32>
      %and3A_1074 = arith.constant 262143 : i32
      %and3A_1075 = vector.broadcast %and3A_1074 : i32 to vector<16xi32>
      %and3A_1076 = arith.andi %get3A_1073, %and3A_1075 : vector<16xi32>
      %shift_left3A_1077 = arith.constant 2 : i32
      %shift_left3A_1078 = vector.broadcast %shift_left3A_1077 : i32 to vector<16xi32>
      %shift_left3A_1079 = arith.shli %and3A_1076, %shift_left3A_1078 : vector<16xi32>
      %shift_right_logical3A_1080 = arith.constant 18 : i32
      %shift_right_logical3A_1081 = vector.broadcast %shift_right_logical3A_1080 : i32 to vector<16xi32>
      %shift_right_logical3A_1082 = arith.shrui %get3A_1073, %shift_right_logical3A_1081 : vector<16xi32>
      %or3A_1083 = arith.ori %shift_left3A_1079, %shift_right_logical3A_1082 : vector<16xi32>
      %swap3A_1084 = arith.constant 6 : i32
      %swap3A_1085 = arith.index_cast %swap3A_1084 : i32 to index
      %swap3A_1086 = arith.constant 16 : index
      %swap3A_1087 = tpu.vector_load %arg6[%swap3A_1085, %swap3A_1086] {strides = array<i32>} : memref<8x128xi32, #tpu.memory_space<vmem>>, vector<1x16xi32>,
      %swap3A_1088 = vector.shape_cast %swap3A_1087 : vector<1x16xi32> to vector<16xi32>
      %swap3A_1089 = vector.shape_cast %or3A_1083 : vector<16xi32> to vector<1x16xi32>
      tpu.vector_store %arg6[%swap3A_1085, %swap3A_1086], %swap3A_1089 {strides = array<i32>} : memref<8x128xi32, #tpu.memory_space<vmem>>, vector<1x16xi32>,
      %get3A_1090 = arith.constant 6 : i32
      %get3A_1091 = arith.index_cast %get3A_1090 : i32 to index
      %get3A_1092 = arith.constant 32 : index
      %get3A_1093 = tpu.vector_load %arg5[%get3A_1091, %get3A_1092] {strides = array<i32>} : memref<8x128xi32, #tpu.memory_space<vmem>>, vector<1x16xi32>,
      %get3A_1094 = vector.shape_cast %get3A_1093 : vector<1x16xi32> to vector<16xi32>
      %and3A_1095 = arith.constant 262143 : i32
      %and3A_1096 = vector.broadcast %and3A_1095 : i32 to vector<16xi32>
      %and3A_1097 = arith.andi %get3A_1094, %and3A_1096 : vector<16xi32>
      %shift_left3A_1098 = arith.constant 2 : i32
      %shift_left3A_1099 = vector.broadcast %shift_left3A_1098 : i32 to vector<16xi32>
      %shift_left3A_1100 = arith.shli %and3A_1097, %shift_left3A_1099 : vector<16xi32>
      %shift_right_logical3A_1101 = arith.constant 18 : i32
      %shift_right_logical3A_1102 = vector.broadcast %shift_right_logical3A_1101 : i32 to vector<16xi32>
      %shift_right_logical3A_1103 = arith.shrui %get3A_1094, %shift_right_logical3A_1102 : vector<16xi32>
      %or3A_1104 = arith.ori %shift_left3A_1100, %shift_right_logical3A_1103 : vector<16xi32>
      %swap3A_1105 = arith.constant 6 : i32
      %swap3A_1106 = arith.index_cast %swap3A_1105 : i32 to index
      %swap3A_1107 = arith.constant 32 : index
      %swap3A_1108 = tpu.vector_load %arg6[%swap3A_1106, %swap3A_1107] {strides = array<i32>} : memref<8x128xi32, #tpu.memory_space<vmem>>, vector<1x16xi32>,
      %swap3A_1109 = vector.shape_cast %swap3A_1108 : vector<1x16xi32> to vector<16xi32>
      %swap3A_1110 = vector.shape_cast %or3A_1104 : vector<16xi32> to vector<1x16xi32>
      tpu.vector_store %arg6[%swap3A_1106, %swap3A_1107], %swap3A_1110 {strides = array<i32>} : memref<8x128xi32, #tpu.memory_space<vmem>>, vector<1x16xi32>,
      %get3A_1111 = arith.constant 6 : i32
      %get3A_1112 = arith.index_cast %get3A_1111 : i32 to index
      %get3A_1113 = arith.constant 48 : index
      %get3A_1114 = tpu.vector_load %arg5[%get3A_1112, %get3A_1113] {strides = array<i32>} : memref<8x128xi32, #tpu.memory_space<vmem>>, vector<1x16xi32>,
      %get3A_1115 = vector.shape_cast %get3A_1114 : vector<1x16xi32> to vector<16xi32>
      %and3A_1116 = arith.constant 262143 : i32
      %and3A_1117 = vector.broadcast %and3A_1116 : i32 to vector<16xi32>
      %and3A_1118 = arith.andi %get3A_1115, %and3A_1117 : vector<16xi32>
      %shift_left3A_1119 = arith.constant 2 : i32
      %shift_left3A_1120 = vector.broadcast %shift_left3A_1119 : i32 to vector<16xi32>
      %shift_left3A_1121 = arith.shli %and3A_1118, %shift_left3A_1120 : vector<16xi32>
      %shift_right_logical3A_1122 = arith.constant 18 : i32
      %shift_right_logical3A_1123 = vector.broadcast %shift_right_logical3A_1122 : i32 to vector<16xi32>
      %shift_right_logical3A_1124 = arith.shrui %get3A_1115, %shift_right_logical3A_1123 : vector<16xi32>
      %or3A_1125 = arith.ori %shift_left3A_1121, %shift_right_logical3A_1124 : vector<16xi32>
      %swap3A_1126 = arith.constant 6 : i32
      %swap3A_1127 = arith.index_cast %swap3A_1126 : i32 to index
      %swap3A_1128 = arith.constant 48 : index
      %swap3A_1129 = tpu.vector_load %arg6[%swap3A_1127, %swap3A_1128] {strides = array<i32>} : memref<8x128xi32, #tpu.memory_space<vmem>>, vector<1x16xi32>,
      %swap3A_1130 = vector.shape_cast %swap3A_1129 : vector<1x16xi32> to vector<16xi32>
      %swap3A_1131 = vector.shape_cast %or3A_1125 : vector<16xi32> to vector<1x16xi32>
      tpu.vector_store %arg6[%swap3A_1127, %swap3A_1128], %swap3A_1131 {strides = array<i32>} : memref<8x128xi32, #tpu.memory_space<vmem>>, vector<1x16xi32>,
      %get3A_1132 = arith.constant 6 : i32
      %get3A_1133 = arith.index_cast %get3A_1132 : i32 to index
      %get3A_1134 = arith.constant 64 : index
      %get3A_1135 = tpu.vector_load %arg5[%get3A_1133, %get3A_1134] {strides = array<i32>} : memref<8x128xi32, #tpu.memory_space<vmem>>, vector<1x16xi32>,
      %get3A_1136 = vector.shape_cast %get3A_1135 : vector<1x16xi32> to vector<16xi32>
      %and3A_1137 = arith.constant 262143 : i32
      %and3A_1138 = vector.broadcast %and3A_1137 : i32 to vector<16xi32>
      %and3A_1139 = arith.andi %get3A_1136, %and3A_1138 : vector<16xi32>
      %shift_left3A_1140 = arith.constant 2 : i32
      %shift_left3A_1141 = vector.broadcast %shift_left3A_1140 : i32 to vector<16xi32>
      %shift_left3A_1142 = arith.shli %and3A_1139, %shift_left3A_1141 : vector<16xi32>
      %shift_right_logical3A_1143 = arith.constant 18 : i32
      %shift_right_logical3A_1144 = vector.broadcast %shift_right_logical3A_1143 : i32 to vector<16xi32>
      %shift_right_logical3A_1145 = arith.shrui %get3A_1136, %shift_right_logical3A_1144 : vector<16xi32>
      %or3A_1146 = arith.ori %shift_left3A_1142, %shift_right_logical3A_1145 : vector<16xi32>
      %swap3A_1147 = arith.constant 6 : i32
      %swap3A_1148 = arith.index_cast %swap3A_1147 : i32 to index
      %swap3A_1149 = arith.constant 64 : index
      %swap3A_1150 = tpu.vector_load %arg6[%swap3A_1148, %swap3A_1149] {strides = array<i32>} : memref<8x128xi32, #tpu.memory_space<vmem>>, vector<1x16xi32>,
      %swap3A_1151 = vector.shape_cast %swap3A_1150 : vector<1x16xi32> to vector<16xi32>
      %swap3A_1152 = vector.shape_cast %or3A_1146 : vector<16xi32> to vector<1x16xi32>
      tpu.vector_store %arg6[%swap3A_1148, %swap3A_1149], %swap3A_1152 {strides = array<i32>} : memref<8x128xi32, #tpu.memory_space<vmem>>, vector<1x16xi32>,
      %get3A_1153 = arith.constant 6 : i32
      %get3A_1154 = arith.index_cast %get3A_1153 : i32 to index
      %get3A_1155 = arith.constant 80 : index
      %get3A_1156 = tpu.vector_load %arg5[%get3A_1154, %get3A_1155] {strides = array<i32>} : memref<8x128xi32, #tpu.memory_space<vmem>>, vector<1x16xi32>,
      %get3A_1157 = vector.shape_cast %get3A_1156 : vector<1x16xi32> to vector<16xi32>
      %and3A_1158 = arith.constant 262143 : i32
      %and3A_1159 = vector.broadcast %and3A_1158 : i32 to vector<16xi32>
      %and3A_1160 = arith.andi %get3A_1157, %and3A_1159 : vector<16xi32>
      %shift_left3A_1161 = arith.constant 2 : i32
      %shift_left3A_1162 = vector.broadcast %shift_left3A_1161 : i32 to vector<16xi32>
      %shift_left3A_1163 = arith.shli %and3A_1160, %shift_left3A_1162 : vector<16xi32>
      %shift_right_logical3A_1164 = arith.constant 18 : i32
      %shift_right_logical3A_1165 = vector.broadcast %shift_right_logical3A_1164 : i32 to vector<16xi32>
      %shift_right_logical3A_1166 = arith.shrui %get3A_1157, %shift_right_logical3A_1165 : vector<16xi32>
      %or3A_1167 = arith.ori %shift_left3A_1163, %shift_right_logical3A_1166 : vector<16xi32>
      %swap3A_1168 = arith.constant 6 : i32
      %swap3A_1169 = arith.index_cast %swap3A_1168 : i32 to index
      %swap3A_1170 = arith.constant 80 : index
      %swap3A_1171 = tpu.vector_load %arg6[%swap3A_1169, %swap3A_1170] {strides = array<i32>} : memref<8x128xi32, #tpu.memory_space<vmem>>, vector<1x16xi32>,
      %swap3A_1172 = vector.shape_cast %swap3A_1171 : vector<1x16xi32> to vector<16xi32>
      %swap3A_1173 = vector.shape_cast %or3A_1167 : vector<16xi32> to vector<1x16xi32>
      tpu.vector_store %arg6[%swap3A_1169, %swap3A_1170], %swap3A_1173 {strides = array<i32>} : memref<8x128xi32, #tpu.memory_space<vmem>>, vector<1x16xi32>,
      %get3A_1174 = arith.constant 6 : i32
      %get3A_1175 = arith.index_cast %get3A_1174 : i32 to index
      %get3A_1176 = arith.constant 96 : index
      %get3A_1177 = tpu.vector_load %arg5[%get3A_1175, %get3A_1176] {strides = array<i32>} : memref<8x128xi32, #tpu.memory_space<vmem>>, vector<1x16xi32>,
      %get3A_1178 = vector.shape_cast %get3A_1177 : vector<1x16xi32> to vector<16xi32>
      %and3A_1179 = arith.constant 262143 : i32
      %and3A_1180 = vector.broadcast %and3A_1179 : i32 to vector<16xi32>
      %and3A_1181 = arith.andi %get3A_1178, %and3A_1180 : vector<16xi32>
      %shift_left3A_1182 = arith.constant 2 : i32
      %shift_left3A_1183 = vector.broadcast %shift_left3A_1182 : i32 to vector<16xi32>
      %shift_left3A_1184 = arith.shli %and3A_1181, %shift_left3A_1183 : vector<16xi32>
      %shift_right_logical3A_1185 = arith.constant 18 : i32
      %shift_right_logical3A_1186 = vector.broadcast %shift_right_logical3A_1185 : i32 to vector<16xi32>
      %shift_right_logical3A_1187 = arith.shrui %get3A_1178, %shift_right_logical3A_1186 : vector<16xi32>
      %or3A_1188 = arith.ori %shift_left3A_1184, %shift_right_logical3A_1187 : vector<16xi32>
      %swap3A_1189 = arith.constant 6 : i32
      %swap3A_1190 = arith.index_cast %swap3A_1189 : i32 to index
      %swap3A_1191 = arith.constant 96 : index
      %swap3A_1192 = tpu.vector_load %arg6[%swap3A_1190, %swap3A_1191] {strides = array<i32>} : memref<8x128xi32, #tpu.memory_space<vmem>>, vector<1x16xi32>,
      %swap3A_1193 = vector.shape_cast %swap3A_1192 : vector<1x16xi32> to vector<16xi32>
      %swap3A_1194 = vector.shape_cast %or3A_1188 : vector<16xi32> to vector<1x16xi32>
      tpu.vector_store %arg6[%swap3A_1190, %swap3A_1191], %swap3A_1194 {strides = array<i32>} : memref<8x128xi32, #tpu.memory_space<vmem>>, vector<1x16xi32>,
      %get3A_1195 = arith.constant 6 : i32
      %get3A_1196 = arith.index_cast %get3A_1195 : i32 to index
      %get3A_1197 = arith.constant 112 : index
      %get3A_1198 = tpu.vector_load %arg5[%get3A_1196, %get3A_1197] {strides = array<i32>} : memref<8x128xi32, #tpu.memory_space<vmem>>, vector<1x16xi32>,
      %get3A_1199 = vector.shape_cast %get3A_1198 : vector<1x16xi32> to vector<16xi32>
      %and3A_1200 = arith.constant 262143 : i32
      %and3A_1201 = vector.broadcast %and3A_1200 : i32 to vector<16xi32>
      %and3A_1202 = arith.andi %get3A_1199, %and3A_1201 : vector<16xi32>
      %shift_left3A_1203 = arith.constant 2 : i32
      %shift_left3A_1204 = vector.broadcast %shift_left3A_1203 : i32 to vector<16xi32>
      %shift_left3A_1205 = arith.shli %and3A_1202, %shift_left3A_1204 : vector<16xi32>
      %shift_right_logical3A_1206 = arith.constant 18 : i32
      %shift_right_logical3A_1207 = vector.broadcast %shift_right_logical3A_1206 : i32 to vector<16xi32>
      %shift_right_logical3A_1208 = arith.shrui %get3A_1199, %shift_right_logical3A_1207 : vector<16xi32>
      %or3A_1209 = arith.ori %shift_left3A_1205, %shift_right_logical3A_1208 : vector<16xi32>
      %swap3A_1210 = arith.constant 6 : i32
      %swap3A_1211 = arith.index_cast %swap3A_1210 : i32 to index
      %swap3A_1212 = arith.constant 112 : index
      %swap3A_1213 = tpu.vector_load %arg6[%swap3A_1211, %swap3A_1212] {strides = array<i32>} : memref<8x128xi32, #tpu.memory_space<vmem>>, vector<1x16xi32>,
      %swap3A_1214 = vector.shape_cast %swap3A_1213 : vector<1x16xi32> to vector<16xi32>
      %swap3A_1215 = vector.shape_cast %or3A_1209 : vector<16xi32> to vector<1x16xi32>
      tpu.vector_store %arg6[%swap3A_1211, %swap3A_1212], %swap3A_1215 {strides = array<i32>} : memref<8x128xi32, #tpu.memory_space<vmem>>, vector<1x16xi32>,
      %get3A_1216 = arith.constant 7 : i32
      %get3A_1217 = arith.index_cast %get3A_1216 : i32 to index
      %get3A_1218 = arith.constant 0 : index
      %get3A_1219 = tpu.vector_load %arg5[%get3A_1217, %get3A_1218] {strides = array<i32>} : memref<8x128xi32, #tpu.memory_space<vmem>>, vector<1x16xi32>,
      %get3A_1220 = vector.shape_cast %get3A_1219 : vector<1x16xi32> to vector<16xi32>
      %and3A_1221 = arith.constant 262143 : i32
      %and3A_1222 = vector.broadcast %and3A_1221 : i32 to vector<16xi32>
      %and3A_1223 = arith.andi %get3A_1220, %and3A_1222 : vector<16xi32>
      %shift_left3A_1224 = arith.constant 2 : i32
      %shift_left3A_1225 = vector.broadcast %shift_left3A_1224 : i32 to vector<16xi32>
      %shift_left3A_1226 = arith.shli %and3A_1223, %shift_left3A_1225 : vector<16xi32>
      %shift_right_logical3A_1227 = arith.constant 18 : i32
      %shift_right_logical3A_1228 = vector.broadcast %shift_right_logical3A_1227 : i32 to vector<16xi32>
      %shift_right_logical3A_1229 = arith.shrui %get3A_1220, %shift_right_logical3A_1228 : vector<16xi32>
      %or3A_1230 = arith.ori %shift_left3A_1226, %shift_right_logical3A_1229 : vector<16xi32>
      %swap3A_1231 = arith.constant 7 : i32
      %swap3A_1232 = arith.index_cast %swap3A_1231 : i32 to index
      %swap3A_1233 = arith.constant 0 : index
      %swap3A_1234 = tpu.vector_load %arg6[%swap3A_1232, %swap3A_1233] {strides = array<i32>} : memref<8x128xi32, #tpu.memory_space<vmem>>, vector<1x16xi32>,
      %swap3A_1235 = vector.shape_cast %swap3A_1234 : vector<1x16xi32> to vector<16xi32>
      %swap3A_1236 = vector.shape_cast %or3A_1230 : vector<16xi32> to vector<1x16xi32>
      tpu.vector_store %arg6[%swap3A_1232, %swap3A_1233], %swap3A_1236 {strides = array<i32>} : memref<8x128xi32, #tpu.memory_space<vmem>>, vector<1x16xi32>,
      %get3A_1237 = arith.constant 7 : i32
      %get3A_1238 = arith.index_cast %get3A_1237 : i32 to index
      %get3A_1239 = arith.constant 16 : index
      %get3A_1240 = tpu.vector_load %arg5[%get3A_1238, %get3A_1239] {strides = array<i32>} : memref<8x128xi32, #tpu.memory_space<vmem>>, vector<1x16xi32>,
      %get3A_1241 = vector.shape_cast %get3A_1240 : vector<1x16xi32> to vector<16xi32>
      %and3A_1242 = arith.constant 262143 : i32
      %and3A_1243 = vector.broadcast %and3A_1242 : i32 to vector<16xi32>
      %and3A_1244 = arith.andi %get3A_1241, %and3A_1243 : vector<16xi32>
      %shift_left3A_1245 = arith.constant 2 : i32
      %shift_left3A_1246 = vector.broadcast %shift_left3A_1245 : i32 to vector<16xi32>
      %shift_left3A_1247 = arith.shli %and3A_1244, %shift_left3A_1246 : vector<16xi32>
      %shift_right_logical3A_1248 = arith.constant 18 : i32
      %shift_right_logical3A_1249 = vector.broadcast %shift_right_logical3A_1248 : i32 to vector<16xi32>
      %shift_right_logical3A_1250 = arith.shrui %get3A_1241, %shift_right_logical3A_1249 : vector<16xi32>
      %or3A_1251 = arith.ori %shift_left3A_1247, %shift_right_logical3A_1250 : vector<16xi32>
      %swap3A_1252 = arith.constant 7 : i32
      %swap3A_1253 = arith.index_cast %swap3A_1252 : i32 to index
      %swap3A_1254 = arith.constant 16 : index
      %swap3A_1255 = tpu.vector_load %arg6[%swap3A_1253, %swap3A_1254] {strides = array<i32>} : memref<8x128xi32, #tpu.memory_space<vmem>>, vector<1x16xi32>,
      %swap3A_1256 = vector.shape_cast %swap3A_1255 : vector<1x16xi32> to vector<16xi32>
      %swap3A_1257 = vector.shape_cast %or3A_1251 : vector<16xi32> to vector<1x16xi32>
      tpu.vector_store %arg6[%swap3A_1253, %swap3A_1254], %swap3A_1257 {strides = array<i32>} : memref<8x128xi32, #tpu.memory_space<vmem>>, vector<1x16xi32>,
      %get3A_1258 = arith.constant 7 : i32
      %get3A_1259 = arith.index_cast %get3A_1258 : i32 to index
      %get3A_1260 = arith.constant 32 : index
      %get3A_1261 = tpu.vector_load %arg5[%get3A_1259, %get3A_1260] {strides = array<i32>} : memref<8x128xi32, #tpu.memory_space<vmem>>, vector<1x16xi32>,
      %get3A_1262 = vector.shape_cast %get3A_1261 : vector<1x16xi32> to vector<16xi32>
      %and3A_1263 = arith.constant 262143 : i32
      %and3A_1264 = vector.broadcast %and3A_1263 : i32 to vector<16xi32>
      %and3A_1265 = arith.andi %get3A_1262, %and3A_1264 : vector<16xi32>
      %shift_left3A_1266 = arith.constant 2 : i32
      %shift_left3A_1267 = vector.broadcast %shift_left3A_1266 : i32 to vector<16xi32>
      %shift_left3A_1268 = arith.shli %and3A_1265, %shift_left3A_1267 : vector<16xi32>
      %shift_right_logical3A_1269 = arith.constant 18 : i32
      %shift_right_logical3A_1270 = vector.broadcast %shift_right_logical3A_1269 : i32 to vector<16xi32>
      %shift_right_logical3A_1271 = arith.shrui %get3A_1262, %shift_right_logical3A_1270 : vector<16xi32>
      %or3A_1272 = arith.ori %shift_left3A_1268, %shift_right_logical3A_1271 : vector<16xi32>
      %swap3A_1273 = arith.constant 7 : i32
      %swap3A_1274 = arith.index_cast %swap3A_1273 : i32 to index
      %swap3A_1275 = arith.constant 32 : index
      %swap3A_1276 = tpu.vector_load %arg6[%swap3A_1274, %swap3A_1275] {strides = array<i32>} : memref<8x128xi32, #tpu.memory_space<vmem>>, vector<1x16xi32>,
      %swap3A_1277 = vector.shape_cast %swap3A_1276 : vector<1x16xi32> to vector<16xi32>
      %swap3A_1278 = vector.shape_cast %or3A_1272 : vector<16xi32> to vector<1x16xi32>
      tpu.vector_store %arg6[%swap3A_1274, %swap3A_1275], %swap3A_1278 {strides = array<i32>} : memref<8x128xi32, #tpu.memory_space<vmem>>, vector<1x16xi32>,
      %get3A_1279 = arith.constant 7 : i32
      %get3A_1280 = arith.index_cast %get3A_1279 : i32 to index
      %get3A_1281 = arith.constant 48 : index
      %get3A_1282 = tpu.vector_load %arg5[%get3A_1280, %get3A_1281] {strides = array<i32>} : memref<8x128xi32, #tpu.memory_space<vmem>>, vector<1x16xi32>,
      %get3A_1283 = vector.shape_cast %get3A_1282 : vector<1x16xi32> to vector<16xi32>
      %and3A_1284 = arith.constant 262143 : i32
      %and3A_1285 = vector.broadcast %and3A_1284 : i32 to vector<16xi32>
      %and3A_1286 = arith.andi %get3A_1283, %and3A_1285 : vector<16xi32>
      %shift_left3A_1287 = arith.constant 2 : i32
      %shift_left3A_1288 = vector.broadcast %shift_left3A_1287 : i32 to vector<16xi32>
      %shift_left3A_1289 = arith.shli %and3A_1286, %shift_left3A_1288 : vector<16xi32>
      %shift_right_logical3A_1290 = arith.constant 18 : i32
      %shift_right_logical3A_1291 = vector.broadcast %shift_right_logical3A_1290 : i32 to vector<16xi32>
      %shift_right_logical3A_1292 = arith.shrui %get3A_1283, %shift_right_logical3A_1291 : vector<16xi32>
      %or3A_1293 = arith.ori %shift_left3A_1289, %shift_right_logical3A_1292 : vector<16xi32>
      %swap3A_1294 = arith.constant 7 : i32
      %swap3A_1295 = arith.index_cast %swap3A_1294 : i32 to index
      %swap3A_1296 = arith.constant 48 : index
      %swap3A_1297 = tpu.vector_load %arg6[%swap3A_1295, %swap3A_1296] {strides = array<i32>} : memref<8x128xi32, #tpu.memory_space<vmem>>, vector<1x16xi32>,
      %swap3A_1298 = vector.shape_cast %swap3A_1297 : vector<1x16xi32> to vector<16xi32>
      %swap3A_1299 = vector.shape_cast %or3A_1293 : vector<16xi32> to vector<1x16xi32>
      tpu.vector_store %arg6[%swap3A_1295, %swap3A_1296], %swap3A_1299 {strides = array<i32>} : memref<8x128xi32, #tpu.memory_space<vmem>>, vector<1x16xi32>,
      %get3A_1300 = arith.constant 7 : i32
      %get3A_1301 = arith.index_cast %get3A_1300 : i32 to index
      %get3A_1302 = arith.constant 64 : index
      %get3A_1303 = tpu.vector_load %arg5[%get3A_1301, %get3A_1302] {strides = array<i32>} : memref<8x128xi32, #tpu.memory_space<vmem>>, vector<1x16xi32>,
      %get3A_1304 = vector.shape_cast %get3A_1303 : vector<1x16xi32> to vector<16xi32>
      %and3A_1305 = arith.constant 262143 : i32
      %and3A_1306 = vector.broadcast %and3A_1305 : i32 to vector<16xi32>
      %and3A_1307 = arith.andi %get3A_1304, %and3A_1306 : vector<16xi32>
      %shift_left3A_1308 = arith.constant 2 : i32
      %shift_left3A_1309 = vector.broadcast %shift_left3A_1308 : i32 to vector<16xi32>
      %shift_left3A_1310 = arith.shli %and3A_1307, %shift_left3A_1309 : vector<16xi32>
      %shift_right_logical3A_1311 = arith.constant 18 : i32
      %shift_right_logical3A_1312 = vector.broadcast %shift_right_logical3A_1311 : i32 to vector<16xi32>
      %shift_right_logical3A_1313 = arith.shrui %get3A_1304, %shift_right_logical3A_1312 : vector<16xi32>
      %or3A_1314 = arith.ori %shift_left3A_1310, %shift_right_logical3A_1313 : vector<16xi32>
      %swap3A_1315 = arith.constant 7 : i32
      %swap3A_1316 = arith.index_cast %swap3A_1315 : i32 to index
      %swap3A_1317 = arith.constant 64 : index
      %swap3A_1318 = tpu.vector_load %arg6[%swap3A_1316, %swap3A_1317] {strides = array<i32>} : memref<8x128xi32, #tpu.memory_space<vmem>>, vector<1x16xi32>,
      %swap3A_1319 = vector.shape_cast %swap3A_1318 : vector<1x16xi32> to vector<16xi32>
      %swap3A_1320 = vector.shape_cast %or3A_1314 : vector<16xi32> to vector<1x16xi32>
      tpu.vector_store %arg6[%swap3A_1316, %swap3A_1317], %swap3A_1320 {strides = array<i32>} : memref<8x128xi32, #tpu.memory_space<vmem>>, vector<1x16xi32>,
      %get3A_1321 = arith.constant 7 : i32
      %get3A_1322 = arith.index_cast %get3A_1321 : i32 to index
      %get3A_1323 = arith.constant 80 : index
      %get3A_1324 = tpu.vector_load %arg5[%get3A_1322, %get3A_1323] {strides = array<i32>} : memref<8x128xi32, #tpu.memory_space<vmem>>, vector<1x16xi32>,
      %get3A_1325 = vector.shape_cast %get3A_1324 : vector<1x16xi32> to vector<16xi32>
      %and3A_1326 = arith.constant 262143 : i32
      %and3A_1327 = vector.broadcast %and3A_1326 : i32 to vector<16xi32>
      %and3A_1328 = arith.andi %get3A_1325, %and3A_1327 : vector<16xi32>
      %shift_left3A_1329 = arith.constant 2 : i32
      %shift_left3A_1330 = vector.broadcast %shift_left3A_1329 : i32 to vector<16xi32>
      %shift_left3A_1331 = arith.shli %and3A_1328, %shift_left3A_1330 : vector<16xi32>
      %shift_right_logical3A_1332 = arith.constant 18 : i32
      %shift_right_logical3A_1333 = vector.broadcast %shift_right_logical3A_1332 : i32 to vector<16xi32>
      %shift_right_logical3A_1334 = arith.shrui %get3A_1325, %shift_right_logical3A_1333 : vector<16xi32>
      %or3A_1335 = arith.ori %shift_left3A_1331, %shift_right_logical3A_1334 : vector<16xi32>
      %swap3A_1336 = arith.constant 7 : i32
      %swap3A_1337 = arith.index_cast %swap3A_1336 : i32 to index
      %swap3A_1338 = arith.constant 80 : index
      %swap3A_1339 = tpu.vector_load %arg6[%swap3A_1337, %swap3A_1338] {strides = array<i32>} : memref<8x128xi32, #tpu.memory_space<vmem>>, vector<1x16xi32>,
      %swap3A_1340 = vector.shape_cast %swap3A_1339 : vector<1x16xi32> to vector<16xi32>
      %swap3A_1341 = vector.shape_cast %or3A_1335 : vector<16xi32> to vector<1x16xi32>
      tpu.vector_store %arg6[%swap3A_1337, %swap3A_1338], %swap3A_1341 {strides = array<i32>} : memref<8x128xi32, #tpu.memory_space<vmem>>, vector<1x16xi32>,
      %get3A_1342 = arith.constant 7 : i32
      %get3A_1343 = arith.index_cast %get3A_1342 : i32 to index
      %get3A_1344 = arith.constant 96 : index
      %get3A_1345 = tpu.vector_load %arg5[%get3A_1343, %get3A_1344] {strides = array<i32>} : memref<8x128xi32, #tpu.memory_space<vmem>>, vector<1x16xi32>,
      %get3A_1346 = vector.shape_cast %get3A_1345 : vector<1x16xi32> to vector<16xi32>
      %and3A_1347 = arith.constant 262143 : i32
      %and3A_1348 = vector.broadcast %and3A_1347 : i32 to vector<16xi32>
      %and3A_1349 = arith.andi %get3A_1346, %and3A_1348 : vector<16xi32>
      %shift_left3A_1350 = arith.constant 2 : i32
      %shift_left3A_1351 = vector.broadcast %shift_left3A_1350 : i32 to vector<16xi32>
      %shift_left3A_1352 = arith.shli %and3A_1349, %shift_left3A_1351 : vector<16xi32>
      %shift_right_logical3A_1353 = arith.constant 18 : i32
      %shift_right_logical3A_1354 = vector.broadcast %shift_right_logical3A_1353 : i32 to vector<16xi32>
      %shift_right_logical3A_1355 = arith.shrui %get3A_1346, %shift_right_logical3A_1354 : vector<16xi32>
      %or3A_1356 = arith.ori %shift_left3A_1352, %shift_right_logical3A_1355 : vector<16xi32>
      %swap3A_1357 = arith.constant 7 : i32
      %swap3A_1358 = arith.index_cast %swap3A_1357 : i32 to index
      %swap3A_1359 = arith.constant 96 : index
      %swap3A_1360 = tpu.vector_load %arg6[%swap3A_1358, %swap3A_1359] {strides = array<i32>} : memref<8x128xi32, #tpu.memory_space<vmem>>, vector<1x16xi32>,
      %swap3A_1361 = vector.shape_cast %swap3A_1360 : vector<1x16xi32> to vector<16xi32>
      %swap3A_1362 = vector.shape_cast %or3A_1356 : vector<16xi32> to vector<1x16xi32>
      tpu.vector_store %arg6[%swap3A_1358, %swap3A_1359], %swap3A_1362 {strides = array<i32>} : memref<8x128xi32, #tpu.memory_space<vmem>>, vector<1x16xi32>,
      %get3A_1363 = arith.constant 7 : i32
      %get3A_1364 = arith.index_cast %get3A_1363 : i32 to index
      %get3A_1365 = arith.constant 112 : index
      %get3A_1366 = tpu.vector_load %arg5[%get3A_1364, %get3A_1365] {strides = array<i32>} : memref<8x128xi32, #tpu.memory_space<vmem>>, vector<1x16xi32>,
      %get3A_1367 = vector.shape_cast %get3A_1366 : vector<1x16xi32> to vector<16xi32>
      %and3A_1368 = arith.constant 262143 : i32
      %and3A_1369 = vector.broadcast %and3A_1368 : i32 to vector<16xi32>
      %and3A_1370 = arith.andi %get3A_1367, %and3A_1369 : vector<16xi32>
      %shift_left3A_1371 = arith.constant 2 : i32
      %shift_left3A_1372 = vector.broadcast %shift_left3A_1371 : i32 to vector<16xi32>
      %shift_left3A_1373 = arith.shli %and3A_1370, %shift_left3A_1372 : vector<16xi32>
      %shift_right_logical3A_1374 = arith.constant 18 : i32
      %shift_right_logical3A_1375 = vector.broadcast %shift_right_logical3A_1374 : i32 to vector<16xi32>
      %shift_right_logical3A_1376 = arith.shrui %get3A_1367, %shift_right_logical3A_1375 : vector<16xi32>
      %or3A_1377 = arith.ori %shift_left3A_1373, %shift_right_logical3A_1376 : vector<16xi32>
      %swap3A_1378 = arith.constant 7 : i32
      %swap3A_1379 = arith.index_cast %swap3A_1378 : i32 to index
      %swap3A_1380 = arith.constant 112 : index
      %swap3A_1381 = tpu.vector_load %arg6[%swap3A_1379, %swap3A_1380] {strides = array<i32>} : memref<8x128xi32, #tpu.memory_space<vmem>>, vector<1x16xi32>,
      %swap3A_1382 = vector.shape_cast %swap3A_1381 : vector<1x16xi32> to vector<16xi32>
      %swap3A_1383 = vector.shape_cast %or3A_1377 : vector<16xi32> to vector<1x16xi32>
      tpu.vector_store %arg6[%swap3A_1379, %swap3A_1380], %swap3A_1383 {strides = array<i32>} : memref<8x128xi32, #tpu.memory_space<vmem>>, vector<1x16xi32>,
      %dma_start3A = arith.constant 0 : i32
      %dma_start3A_1384 = arith.constant 0 : i32
      %dma_start3A_1385 = arith.constant 0 : i32
      %dma_start3A_1386 = tpu.memref_slice %arg7[%dma_start3A_1384, %dma_start3A_1385] : memref<1024x32xf32, #tpu.memory_space<vmem>> -> memref<128x32xf32, #tpu.memory_space<vmem>>
      %dma_start3A_1387 = arith.constant 0 : i32
      %dma_start3A_1388 = tpu.memref_slice %arg6[%dma_start3A, %dma_start3A_1387] : memref<8x128xi32, #tpu.memory_space<vmem>> -> memref<1x128xi32, #tpu.memory_space<vmem>>
      %dma_start3A_1389 = tpu.memref_squeeze %dma_start3A_1388 : memref<1x128xi32, #tpu.memory_space<vmem>> -> memref<128xi32, #tpu.memory_space<vmem>>
      %dma_start3A_1390 = arith.constant 0 : i32
      %dma_start3A_1391 = arith.constant 0 : i32
      %dma_start3A_1392 = tpu.memref_slice %arg3[%dma_start3A_1390, %dma_start3A_1391] : memref<1048576x32xf32, #tpu.memory_space<hbm>> -> memref<1048576x32xf32, #tpu.memory_space<hbm>>
      tpu.enqueue_indirect_dma source(%dma_start3A_1392 : memref<1048576x32xf32, #tpu.memory_space<hbm>>) target(%dma_start3A_1386 : memref<128x32xf32, #tpu.memory_space<vmem>>) offsets(%dma_start3A_1389 : memref<128xi32, #tpu.memory_space<vmem>>) semaphore(%arg8 : memref<!tpu.dma_semaphore, #tpu.memory_space<semaphore_mem>>)
      %dma_start3A_1393 = arith.constant 1 : i32
      %dma_start3A_1394 = arith.constant 128 : i32
      %dma_start3A_1395 = arith.constant 0 : i32
      %dma_start3A_1396 = tpu.memref_slice %arg7[%dma_start3A_1394, %dma_start3A_1395] : memref<1024x32xf32, #tpu.memory_space<vmem>> -> memref<128x32xf32, #tpu.memory_space<vmem>>
      %dma_start3A_1397 = arith.constant 0 : i32
      %dma_start3A_1398 = tpu.memref_slice %arg6[%dma_start3A_1393, %dma_start3A_1397] : memref<8x128xi32, #tpu.memory_space<vmem>> -> memref<1x128xi32, #tpu.memory_space<vmem>>
      %dma_start3A_1399 = tpu.memref_squeeze %dma_start3A_1398 : memref<1x128xi32, #tpu.memory_space<vmem>> -> memref<128xi32, #tpu.memory_space<vmem>>
      %dma_start3A_1400 = arith.constant 0 : i32
      %dma_start3A_1401 = arith.constant 0 : i32
      %dma_start3A_1402 = tpu.memref_slice %arg3[%dma_start3A_1400, %dma_start3A_1401] : memref<1048576x32xf32, #tpu.memory_space<hbm>> -> memref<1048576x32xf32, #tpu.memory_space<hbm>>
      tpu.enqueue_indirect_dma source(%dma_start3A_1402 : memref<1048576x32xf32, #tpu.memory_space<hbm>>) target(%dma_start3A_1396 : memref<128x32xf32, #tpu.memory_space<vmem>>) offsets(%dma_start3A_1399 : memref<128xi32, #tpu.memory_space<vmem>>) semaphore(%arg8 : memref<!tpu.dma_semaphore, #tpu.memory_space<semaphore_mem>>)
      %dma_start3A_1403 = arith.constant 2 : i32
      %dma_start3A_1404 = arith.constant 256 : i32
      %dma_start3A_1405 = arith.constant 0 : i32
      %dma_start3A_1406 = tpu.memref_slice %arg7[%dma_start3A_1404, %dma_start3A_1405] : memref<1024x32xf32, #tpu.memory_space<vmem>> -> memref<128x32xf32, #tpu.memory_space<vmem>>
      %dma_start3A_1407 = arith.constant 0 : i32
      %dma_start3A_1408 = tpu.memref_slice %arg6[%dma_start3A_1403, %dma_start3A_1407] : memref<8x128xi32, #tpu.memory_space<vmem>> -> memref<1x128xi32, #tpu.memory_space<vmem>>
      %dma_start3A_1409 = tpu.memref_squeeze %dma_start3A_1408 : memref<1x128xi32, #tpu.memory_space<vmem>> -> memref<128xi32, #tpu.memory_space<vmem>>
      %dma_start3A_1410 = arith.constant 0 : i32
      %dma_start3A_1411 = arith.constant 0 : i32
      %dma_start3A_1412 = tpu.memref_slice %arg3[%dma_start3A_1410, %dma_start3A_1411] : memref<1048576x32xf32, #tpu.memory_space<hbm>> -> memref<1048576x32xf32, #tpu.memory_space<hbm>>
      tpu.enqueue_indirect_dma source(%dma_start3A_1412 : memref<1048576x32xf32, #tpu.memory_space<hbm>>) target(%dma_start3A_1406 : memref<128x32xf32, #tpu.memory_space<vmem>>) offsets(%dma_start3A_1409 : memref<128xi32, #tpu.memory_space<vmem>>) semaphore(%arg8 : memref<!tpu.dma_semaphore, #tpu.memory_space<semaphore_mem>>)
      %dma_start3A_1413 = arith.constant 3 : i32
      %dma_start3A_1414 = arith.constant 384 : i32
      %dma_start3A_1415 = arith.constant 0 : i32
      %dma_start3A_1416 = tpu.memref_slice %arg7[%dma_start3A_1414, %dma_start3A_1415] : memref<1024x32xf32, #tpu.memory_space<vmem>> -> memref<128x32xf32, #tpu.memory_space<vmem>>
      %dma_start3A_1417 = arith.constant 0 : i32
      %dma_start3A_1418 = tpu.memref_slice %arg6[%dma_start3A_1413, %dma_start3A_1417] : memref<8x128xi32, #tpu.memory_space<vmem>> -> memref<1x128xi32, #tpu.memory_space<vmem>>
      %dma_start3A_1419 = tpu.memref_squeeze %dma_start3A_1418 : memref<1x128xi32, #tpu.memory_space<vmem>> -> memref<128xi32, #tpu.memory_space<vmem>>
      %dma_start3A_1420 = arith.constant 0 : i32
      %dma_start3A_1421 = arith.constant 0 : i32
      %dma_start3A_1422 = tpu.memref_slice %arg3[%dma_start3A_1420, %dma_start3A_1421] : memref<1048576x32xf32, #tpu.memory_space<hbm>> -> memref<1048576x32xf32, #tpu.memory_space<hbm>>
      tpu.enqueue_indirect_dma source(%dma_start3A_1422 : memref<1048576x32xf32, #tpu.memory_space<hbm>>) target(%dma_start3A_1416 : memref<128x32xf32, #tpu.memory_space<vmem>>) offsets(%dma_start3A_1419 : memref<128xi32, #tpu.memory_space<vmem>>) semaphore(%arg8 : memref<!tpu.dma_semaphore, #tpu.memory_space<semaphore_mem>>)
      %dma_start3A_1423 = arith.constant 4 : i32
      %dma_start3A_1424 = arith.constant 512 : i32
      %dma_start3A_1425 = arith.constant 0 : i32
      %dma_start3A_1426 = tpu.memref_slice %arg7[%dma_start3A_1424, %dma_start3A_1425] : memref<1024x32xf32, #tpu.memory_space<vmem>> -> memref<128x32xf32, #tpu.memory_space<vmem>>
      %dma_start3A_1427 = arith.constant 0 : i32
      %dma_start3A_1428 = tpu.memref_slice %arg6[%dma_start3A_1423, %dma_start3A_1427] : memref<8x128xi32, #tpu.memory_space<vmem>> -> memref<1x128xi32, #tpu.memory_space<vmem>>
      %dma_start3A_1429 = tpu.memref_squeeze %dma_start3A_1428 : memref<1x128xi32, #tpu.memory_space<vmem>> -> memref<128xi32, #tpu.memory_space<vmem>>
      %dma_start3A_1430 = arith.constant 0 : i32
      %dma_start3A_1431 = arith.constant 0 : i32
      %dma_start3A_1432 = tpu.memref_slice %arg3[%dma_start3A_1430, %dma_start3A_1431] : memref<1048576x32xf32, #tpu.memory_space<hbm>> -> memref<1048576x32xf32, #tpu.memory_space<hbm>>
      tpu.enqueue_indirect_dma source(%dma_start3A_1432 : memref<1048576x32xf32, #tpu.memory_space<hbm>>) target(%dma_start3A_1426 : memref<128x32xf32, #tpu.memory_space<vmem>>) offsets(%dma_start3A_1429 : memref<128xi32, #tpu.memory_space<vmem>>) semaphore(%arg8 : memref<!tpu.dma_semaphore, #tpu.memory_space<semaphore_mem>>)
      %dma_start3A_1433 = arith.constant 5 : i32
      %dma_start3A_1434 = arith.constant 640 : i32
      %dma_start3A_1435 = arith.constant 0 : i32
      %dma_start3A_1436 = tpu.memref_slice %arg7[%dma_start3A_1434, %dma_start3A_1435] : memref<1024x32xf32, #tpu.memory_space<vmem>> -> memref<128x32xf32, #tpu.memory_space<vmem>>
      %dma_start3A_1437 = arith.constant 0 : i32
      %dma_start3A_1438 = tpu.memref_slice %arg6[%dma_start3A_1433, %dma_start3A_1437] : memref<8x128xi32, #tpu.memory_space<vmem>> -> memref<1x128xi32, #tpu.memory_space<vmem>>
      %dma_start3A_1439 = tpu.memref_squeeze %dma_start3A_1438 : memref<1x128xi32, #tpu.memory_space<vmem>> -> memref<128xi32, #tpu.memory_space<vmem>>
      %dma_start3A_1440 = arith.constant 0 : i32
      %dma_start3A_1441 = arith.constant 0 : i32
      %dma_start3A_1442 = tpu.memref_slice %arg3[%dma_start3A_1440, %dma_start3A_1441] : memref<1048576x32xf32, #tpu.memory_space<hbm>> -> memref<1048576x32xf32, #tpu.memory_space<hbm>>
      tpu.enqueue_indirect_dma source(%dma_start3A_1442 : memref<1048576x32xf32, #tpu.memory_space<hbm>>) target(%dma_start3A_1436 : memref<128x32xf32, #tpu.memory_space<vmem>>) offsets(%dma_start3A_1439 : memref<128xi32, #tpu.memory_space<vmem>>) semaphore(%arg8 : memref<!tpu.dma_semaphore, #tpu.memory_space<semaphore_mem>>)
      %dma_start3A_1443 = arith.constant 6 : i32
      %dma_start3A_1444 = arith.constant 768 : i32
      %dma_start3A_1445 = arith.constant 0 : i32
      %dma_start3A_1446 = tpu.memref_slice %arg7[%dma_start3A_1444, %dma_start3A_1445] : memref<1024x32xf32, #tpu.memory_space<vmem>> -> memref<128x32xf32, #tpu.memory_space<vmem>>
      %dma_start3A_1447 = arith.constant 0 : i32
      %dma_start3A_1448 = tpu.memref_slice %arg6[%dma_start3A_1443, %dma_start3A_1447] : memref<8x128xi32, #tpu.memory_space<vmem>> -> memref<1x128xi32, #tpu.memory_space<vmem>>
      %dma_start3A_1449 = tpu.memref_squeeze %dma_start3A_1448 : memref<1x128xi32, #tpu.memory_space<vmem>> -> memref<128xi32, #tpu.memory_space<vmem>>
      %dma_start3A_1450 = arith.constant 0 : i32
      %dma_start3A_1451 = arith.constant 0 : i32
      %dma_start3A_1452 = tpu.memref_slice %arg3[%dma_start3A_1450, %dma_start3A_1451] : memref<1048576x32xf32, #tpu.memory_space<hbm>> -> memref<1048576x32xf32, #tpu.memory_space<hbm>>
      tpu.enqueue_indirect_dma source(%dma_start3A_1452 : memref<1048576x32xf32, #tpu.memory_space<hbm>>) target(%dma_start3A_1446 : memref<128x32xf32, #tpu.memory_space<vmem>>) offsets(%dma_start3A_1449 : memref<128xi32, #tpu.memory_space<vmem>>) semaphore(%arg8 : memref<!tpu.dma_semaphore, #tpu.memory_space<semaphore_mem>>)
      %dma_start3A_1453 = arith.constant 7 : i32
      %dma_start3A_1454 = arith.constant 896 : i32
      %dma_start3A_1455 = arith.constant 0 : i32
      %dma_start3A_1456 = tpu.memref_slice %arg7[%dma_start3A_1454, %dma_start3A_1455] : memref<1024x32xf32, #tpu.memory_space<vmem>> -> memref<128x32xf32, #tpu.memory_space<vmem>>
      %dma_start3A_1457 = arith.constant 0 : i32
      %dma_start3A_1458 = tpu.memref_slice %arg6[%dma_start3A_1453, %dma_start3A_1457] : memref<8x128xi32, #tpu.memory_space<vmem>> -> memref<1x128xi32, #tpu.memory_space<vmem>>
      %dma_start3A_1459 = tpu.memref_squeeze %dma_start3A_1458 : memref<1x128xi32, #tpu.memory_space<vmem>> -> memref<128xi32, #tpu.memory_space<vmem>>
      %dma_start3A_1460 = arith.constant 0 : i32
      %dma_start3A_1461 = arith.constant 0 : i32
      %dma_start3A_1462 = tpu.memref_slice %arg3[%dma_start3A_1460, %dma_start3A_1461] : memref<1048576x32xf32, #tpu.memory_space<hbm>> -> memref<1048576x32xf32, #tpu.memory_space<hbm>>
      tpu.enqueue_indirect_dma source(%dma_start3A_1462 : memref<1048576x32xf32, #tpu.memory_space<hbm>>) target(%dma_start3A_1456 : memref<128x32xf32, #tpu.memory_space<vmem>>) offsets(%dma_start3A_1459 : memref<128xi32, #tpu.memory_space<vmem>>) semaphore(%arg8 : memref<!tpu.dma_semaphore, #tpu.memory_space<semaphore_mem>>)
      %dma_wait3A = arith.constant 0 : i32
      %dma_wait3A_1463 = arith.constant 0 : i32
      %dma_wait3A_1464 = arith.constant 0 : i32
      %dma_wait3A_1465 = tpu.memref_slice %arg7[%dma_wait3A_1463, %dma_wait3A_1464] : memref<1024x32xf32, #tpu.memory_space<vmem>> -> memref<128x32xf32, #tpu.memory_space<vmem>>
      %dma_wait3A_1466 = arith.constant 0 : i32
      %dma_wait3A_1467 = tpu.memref_slice %arg6[%dma_wait3A, %dma_wait3A_1466] : memref<8x128xi32, #tpu.memory_space<vmem>> -> memref<1x128xi32, #tpu.memory_space<vmem>>
      %dma_wait3A_1468 = tpu.memref_squeeze %dma_wait3A_1467 : memref<1x128xi32, #tpu.memory_space<vmem>> -> memref<128xi32, #tpu.memory_space<vmem>>
      %dma_wait3A_1469 = arith.constant 0 : i32
      %dma_wait3A_1470 = arith.constant 0 : i32
      %dma_wait3A_1471 = tpu.memref_slice %arg3[%dma_wait3A_1469, %dma_wait3A_1470] : memref<1048576x32xf32, #tpu.memory_space<hbm>> -> memref<1048576x32xf32, #tpu.memory_space<hbm>>
      tpu.wait_indirect_dma semaphore(%arg8 : memref<!tpu.dma_semaphore, #tpu.memory_space<semaphore_mem>>) src(%dma_wait3A_1471 : memref<1048576x32xf32, #tpu.memory_space<hbm>>) dst(%dma_wait3A_1465 : memref<128x32xf32, #tpu.memory_space<vmem>>)
      %dma_wait3A_1472 = arith.constant 1 : i32
      %dma_wait3A_1473 = arith.constant 128 : i32
      %dma_wait3A_1474 = arith.constant 0 : i32
      %dma_wait3A_1475 = tpu.memref_slice %arg7[%dma_wait3A_1473, %dma_wait3A_1474] : memref<1024x32xf32, #tpu.memory_space<vmem>> -> memref<128x32xf32, #tpu.memory_space<vmem>>
      %dma_wait3A_1476 = arith.constant 0 : i32
      %dma_wait3A_1477 = tpu.memref_slice %arg6[%dma_wait3A_1472, %dma_wait3A_1476] : memref<8x128xi32, #tpu.memory_space<vmem>> -> memref<1x128xi32, #tpu.memory_space<vmem>>
      %dma_wait3A_1478 = tpu.memref_squeeze %dma_wait3A_1477 : memref<1x128xi32, #tpu.memory_space<vmem>> -> memref<128xi32, #tpu.memory_space<vmem>>
      %dma_wait3A_1479 = arith.constant 0 : i32
      %dma_wait3A_1480 = arith.constant 0 : i32
      %dma_wait3A_1481 = tpu.memref_slice %arg3[%dma_wait3A_1479, %dma_wait3A_1480] : memref<1048576x32xf32, #tpu.memory_space<hbm>> -> memref<1048576x32xf32, #tpu.memory_space<hbm>>
      tpu.wait_indirect_dma semaphore(%arg8 : memref<!tpu.dma_semaphore, #tpu.memory_space<semaphore_mem>>) src(%dma_wait3A_1481 : memref<1048576x32xf32, #tpu.memory_space<hbm>>) dst(%dma_wait3A_1475 : memref<128x32xf32, #tpu.memory_space<vmem>>)
      %dma_wait3A_1482 = arith.constant 2 : i32
      %dma_wait3A_1483 = arith.constant 256 : i32
      %dma_wait3A_1484 = arith.constant 0 : i32
      %dma_wait3A_1485 = tpu.memref_slice %arg7[%dma_wait3A_1483, %dma_wait3A_1484] : memref<1024x32xf32, #tpu.memory_space<vmem>> -> memref<128x32xf32, #tpu.memory_space<vmem>>
      %dma_wait3A_1486 = arith.constant 0 : i32
      %dma_wait3A_1487 = tpu.memref_slice %arg6[%dma_wait3A_1482, %dma_wait3A_1486] : memref<8x128xi32, #tpu.memory_space<vmem>> -> memref<1x128xi32, #tpu.memory_space<vmem>>
      %dma_wait3A_1488 = tpu.memref_squeeze %dma_wait3A_1487 : memref<1x128xi32, #tpu.memory_space<vmem>> -> memref<128xi32, #tpu.memory_space<vmem>>
      %dma_wait3A_1489 = arith.constant 0 : i32
      %dma_wait3A_1490 = arith.constant 0 : i32
      %dma_wait3A_1491 = tpu.memref_slice %arg3[%dma_wait3A_1489, %dma_wait3A_1490] : memref<1048576x32xf32, #tpu.memory_space<hbm>> -> memref<1048576x32xf32, #tpu.memory_space<hbm>>
      tpu.wait_indirect_dma semaphore(%arg8 : memref<!tpu.dma_semaphore, #tpu.memory_space<semaphore_mem>>) src(%dma_wait3A_1491 : memref<1048576x32xf32, #tpu.memory_space<hbm>>) dst(%dma_wait3A_1485 : memref<128x32xf32, #tpu.memory_space<vmem>>)
      %dma_wait3A_1492 = arith.constant 3 : i32
      %dma_wait3A_1493 = arith.constant 384 : i32
      %dma_wait3A_1494 = arith.constant 0 : i32
      %dma_wait3A_1495 = tpu.memref_slice %arg7[%dma_wait3A_1493, %dma_wait3A_1494] : memref<1024x32xf32, #tpu.memory_space<vmem>> -> memref<128x32xf32, #tpu.memory_space<vmem>>
      %dma_wait3A_1496 = arith.constant 0 : i32
      %dma_wait3A_1497 = tpu.memref_slice %arg6[%dma_wait3A_1492, %dma_wait3A_1496] : memref<8x128xi32, #tpu.memory_space<vmem>> -> memref<1x128xi32, #tpu.memory_space<vmem>>
      %dma_wait3A_1498 = tpu.memref_squeeze %dma_wait3A_1497 : memref<1x128xi32, #tpu.memory_space<vmem>> -> memref<128xi32, #tpu.memory_space<vmem>>
      %dma_wait3A_1499 = arith.constant 0 : i32
      %dma_wait3A_1500 = arith.constant 0 : i32
      %dma_wait3A_1501 = tpu.memref_slice %arg3[%dma_wait3A_1499, %dma_wait3A_1500] : memref<1048576x32xf32, #tpu.memory_space<hbm>> -> memref<1048576x32xf32, #tpu.memory_space<hbm>>
      tpu.wait_indirect_dma semaphore(%arg8 : memref<!tpu.dma_semaphore, #tpu.memory_space<semaphore_mem>>) src(%dma_wait3A_1501 : memref<1048576x32xf32, #tpu.memory_space<hbm>>) dst(%dma_wait3A_1495 : memref<128x32xf32, #tpu.memory_space<vmem>>)
      %dma_wait3A_1502 = arith.constant 4 : i32
      %dma_wait3A_1503 = arith.constant 512 : i32
      %dma_wait3A_1504 = arith.constant 0 : i32
      %dma_wait3A_1505 = tpu.memref_slice %arg7[%dma_wait3A_1503, %dma_wait3A_1504] : memref<1024x32xf32, #tpu.memory_space<vmem>> -> memref<128x32xf32, #tpu.memory_space<vmem>>
      %dma_wait3A_1506 = arith.constant 0 : i32
      %dma_wait3A_1507 = tpu.memref_slice %arg6[%dma_wait3A_1502, %dma_wait3A_1506] : memref<8x128xi32, #tpu.memory_space<vmem>> -> memref<1x128xi32, #tpu.memory_space<vmem>>
      %dma_wait3A_1508 = tpu.memref_squeeze %dma_wait3A_1507 : memref<1x128xi32, #tpu.memory_space<vmem>> -> memref<128xi32, #tpu.memory_space<vmem>>
      %dma_wait3A_1509 = arith.constant 0 : i32
      %dma_wait3A_1510 = arith.constant 0 : i32
      %dma_wait3A_1511 = tpu.memref_slice %arg3[%dma_wait3A_1509, %dma_wait3A_1510] : memref<1048576x32xf32, #tpu.memory_space<hbm>> -> memref<1048576x32xf32, #tpu.memory_space<hbm>>
      tpu.wait_indirect_dma semaphore(%arg8 : memref<!tpu.dma_semaphore, #tpu.memory_space<semaphore_mem>>) src(%dma_wait3A_1511 : memref<1048576x32xf32, #tpu.memory_space<hbm>>) dst(%dma_wait3A_1505 : memref<128x32xf32, #tpu.memory_space<vmem>>)
      %dma_wait3A_1512 = arith.constant 5 : i32
      %dma_wait3A_1513 = arith.constant 640 : i32
      %dma_wait3A_1514 = arith.constant 0 : i32
      %dma_wait3A_1515 = tpu.memref_slice %arg7[%dma_wait3A_1513, %dma_wait3A_1514] : memref<1024x32xf32, #tpu.memory_space<vmem>> -> memref<128x32xf32, #tpu.memory_space<vmem>>
      %dma_wait3A_1516 = arith.constant 0 : i32
      %dma_wait3A_1517 = tpu.memref_slice %arg6[%dma_wait3A_1512, %dma_wait3A_1516] : memref<8x128xi32, #tpu.memory_space<vmem>> -> memref<1x128xi32, #tpu.memory_space<vmem>>
      %dma_wait3A_1518 = tpu.memref_squeeze %dma_wait3A_1517 : memref<1x128xi32, #tpu.memory_space<vmem>> -> memref<128xi32, #tpu.memory_space<vmem>>
      %dma_wait3A_1519 = arith.constant 0 : i32
      %dma_wait3A_1520 = arith.constant 0 : i32
      %dma_wait3A_1521 = tpu.memref_slice %arg3[%dma_wait3A_1519, %dma_wait3A_1520] : memref<1048576x32xf32, #tpu.memory_space<hbm>> -> memref<1048576x32xf32, #tpu.memory_space<hbm>>
      tpu.wait_indirect_dma semaphore(%arg8 : memref<!tpu.dma_semaphore, #tpu.memory_space<semaphore_mem>>) src(%dma_wait3A_1521 : memref<1048576x32xf32, #tpu.memory_space<hbm>>) dst(%dma_wait3A_1515 : memref<128x32xf32, #tpu.memory_space<vmem>>)
      %dma_wait3A_1522 = arith.constant 6 : i32
      %dma_wait3A_1523 = arith.constant 768 : i32
      %dma_wait3A_1524 = arith.constant 0 : i32
      %dma_wait3A_1525 = tpu.memref_slice %arg7[%dma_wait3A_1523, %dma_wait3A_1524] : memref<1024x32xf32, #tpu.memory_space<vmem>> -> memref<128x32xf32, #tpu.memory_space<vmem>>
      %dma_wait3A_1526 = arith.constant 0 : i32
      %dma_wait3A_1527 = tpu.memref_slice %arg6[%dma_wait3A_1522, %dma_wait3A_1526] : memref<8x128xi32, #tpu.memory_space<vmem>> -> memref<1x128xi32, #tpu.memory_space<vmem>>
      %dma_wait3A_1528 = tpu.memref_squeeze %dma_wait3A_1527 : memref<1x128xi32, #tpu.memory_space<vmem>> -> memref<128xi32, #tpu.memory_space<vmem>>
      %dma_wait3A_1529 = arith.constant 0 : i32
      %dma_wait3A_1530 = arith.constant 0 : i32
      %dma_wait3A_1531 = tpu.memref_slice %arg3[%dma_wait3A_1529, %dma_wait3A_1530] : memref<1048576x32xf32, #tpu.memory_space<hbm>> -> memref<1048576x32xf32, #tpu.memory_space<hbm>>
      tpu.wait_indirect_dma semaphore(%arg8 : memref<!tpu.dma_semaphore, #tpu.memory_space<semaphore_mem>>) src(%dma_wait3A_1531 : memref<1048576x32xf32, #tpu.memory_space<hbm>>) dst(%dma_wait3A_1525 : memref<128x32xf32, #tpu.memory_space<vmem>>)
      %dma_wait3A_1532 = arith.constant 7 : i32
      %dma_wait3A_1533 = arith.constant 896 : i32
      %dma_wait3A_1534 = arith.constant 0 : i32
      %dma_wait3A_1535 = tpu.memref_slice %arg7[%dma_wait3A_1533, %dma_wait3A_1534] : memref<1024x32xf32, #tpu.memory_space<vmem>> -> memref<128x32xf32, #tpu.memory_space<vmem>>
      %dma_wait3A_1536 = arith.constant 0 : i32
      %dma_wait3A_1537 = tpu.memref_slice %arg6[%dma_wait3A_1532, %dma_wait3A_1536] : memref<8x128xi32, #tpu.memory_space<vmem>> -> memref<1x128xi32, #tpu.memory_space<vmem>>
      %dma_wait3A_1538 = tpu.memref_squeeze %dma_wait3A_1537 : memref<1x128xi32, #tpu.memory_space<vmem>> -> memref<128xi32, #tpu.memory_space<vmem>>
      %dma_wait3A_1539 = arith.constant 0 : i32
      %dma_wait3A_1540 = arith.constant 0 : i32
      %dma_wait3A_1541 = tpu.memref_slice %arg3[%dma_wait3A_1539, %dma_wait3A_1540] : memref<1048576x32xf32, #tpu.memory_space<hbm>> -> memref<1048576x32xf32, #tpu.memory_space<hbm>>
      tpu.wait_indirect_dma semaphore(%arg8 : memref<!tpu.dma_semaphore, #tpu.memory_space<semaphore_mem>>) src(%dma_wait3A_1541 : memref<1048576x32xf32, #tpu.memory_space<hbm>>) dst(%dma_wait3A_1535 : memref<128x32xf32, #tpu.memory_space<vmem>>)
      %mul3A_1542 = arith.constant 1024 : i32
      %mul3A_1543 = arith.muli %select_n3A_39, %mul3A_1542 : i32
      "tpu.region"() ({
        %run_scoped3A = tpu.sem_alloc : memref<!tpu.dma_semaphore, #tpu.memory_space<semaphore_mem>>
        %dma_start3A_1544 = arith.constant 0 : i32
        %dma_start3A_1545 = tpu.memref_slice %arg4[%select_n3A, %mul3A_1543, %dma_start3A_1544] : memref<200x4096x32xf32, #tpu.memory_space<hbm>> -> memref<1x1024x32xf32, #tpu.memory_space<hbm>>
        %dma_start3A_1546 = tpu.memref_squeeze %dma_start3A_1545 : memref<1x1024x32xf32, #tpu.memory_space<hbm>> -> memref<1024x32xf32, #tpu.memory_space<hbm>>
        %dma_start3A_1547 = arith.constant 0 : i32
        %dma_start3A_1548 = tpu.memref_slice %arg4[%select_n3A, %mul3A_1543, %dma_start3A_1547] : memref<200x4096x32xf32, #tpu.memory_space<hbm>> -> memref<1x1024x32xf32, #tpu.memory_space<hbm>>
        %dma_start3A_1549 = tpu.memref_squeeze %dma_start3A_1548 : memref<1x1024x32xf32, #tpu.memory_space<hbm>> -> memref<1024x32xf32, #tpu.memory_space<hbm>>
        tpu.enqueue_dma source(%arg7 : memref<1024x32xf32, #tpu.memory_space<vmem>>) target(%dma_start3A_1549 : memref<1024x32xf32, #tpu.memory_space<hbm>>) target_semaphore(%run_scoped3A : memref<!tpu.dma_semaphore, #tpu.memory_space<semaphore_mem>>)
        %dma_wait3A_1550 = arith.constant 0 : i32
        %dma_wait3A_1551 = tpu.memref_slice %arg4[%select_n3A, %mul3A_1543, %dma_wait3A_1550] : memref<200x4096x32xf32, #tpu.memory_space<hbm>> -> memref<1x1024x32xf32, #tpu.memory_space<hbm>>
        %dma_wait3A_1552 = tpu.memref_squeeze %dma_wait3A_1551 : memref<1x1024x32xf32, #tpu.memory_space<hbm>> -> memref<1024x32xf32, #tpu.memory_space<hbm>>
        %dma_wait3A_1553 = arith.constant 0 : i32
        %dma_wait3A_1554 = tpu.memref_slice %arg4[%select_n3A, %mul3A_1543, %dma_wait3A_1553] : memref<200x4096x32xf32, #tpu.memory_space<hbm>> -> memref<1x1024x32xf32, #tpu.memory_space<hbm>>
        %dma_wait3A_1555 = tpu.memref_squeeze %dma_wait3A_1554 : memref<1x1024x32xf32, #tpu.memory_space<hbm>> -> memref<1024x32xf32, #tpu.memory_space<hbm>>
        tpu.wait_dma2 semaphore(%run_scoped3A : memref<!tpu.dma_semaphore, #tpu.memory_space<semaphore_mem>>) src(%arg7 : memref<1024x32xf32, #tpu.memory_space<vmem>>) dst(%dma_wait3A_1555 : memref<1024x32xf32, #tpu.memory_space<hbm>>)
        tpu.yield
      }) : () -> ()
    }
    %scan3A_5 = arith.constant 25 : i32
    return
  }
}

module attributes {stable_mosaic.version = 14 : i64} {
  func.func @_mask_body(%arg0: i32, %arg1: memref<200x4096xi32, #tpu.memory_space<vmem>>, %arg2: memref<4x200x4096xi8, #tpu.memory_space<vmem>>, %arg3: memref<200x4096xi8, #tpu.memory_space<vmem>>) attributes {dimension_semantics = [#tpu.dimension_semantics<arbitrary>], iteration_bounds = array<i64: 50>, scalar_prefetch = 0 : i64, scratch_operands = 1 : i64, tpu.core_type = #tpu.core_type<tc>, window_params = [{pipeline_mode = #tpu.pipeline_mode<synchronous>, transform_indices = @transform_0, window_bounds = array<i64: 200, 4096>}, {transform_indices = @transform_1, window_bounds = array<i64: 4, 200, 4096>}]} {
    %eq3A = arith.constant 0 : i32
    %eq3A_0 = arith.cmpi eq, %arg0, %eq3A : i32
    %convert_element_type3A = arith.extui %eq3A_0 : i1 to i32
    %cond3A = arith.constant 0 : i32
    %cond3A_1 = arith.cmpi ne, %convert_element_type3A, %cond3A : i32
    scf.if %cond3A_1 {
      %get3A_69 = arith.constant 0 : index
      %get3A_70 = arith.constant 0 : index
      %get3A_71 = vector.load %arg1[%get3A_69, %get3A_70] : memref<200x4096xi32, #tpu.memory_space<vmem>>, vector<200x4096xi32>
      %ne3A = arith.constant 0 : i32
      %ne3A_72 = vector.broadcast %ne3A : i32 to vector<200x4096xi32>
      %ne3A_73 = arith.cmpi ne, %get3A_71, %ne3A_72 : vector<200x4096xi32>
      %convert_element_type3A_74 = arith.extui %ne3A_73 : vector<200x4096xi1> to vector<200x4096xi8>
      %swap3A_75 = arith.constant 0 : index
      %swap3A_76 = arith.constant 0 : index
      %swap3A_77 = vector.load %arg3[%swap3A_75, %swap3A_76] : memref<200x4096xi8, #tpu.memory_space<vmem>>, vector<200x4096xi8>
      tpu.vector_store %arg3[%swap3A_75, %swap3A_76], %convert_element_type3A_74 {strides = array<i32>} : memref<200x4096xi8, #tpu.memory_space<vmem>>, vector<200x4096xi8>,
    } else {
    }
    %iota3A = tpu.iota {dimensions = array<i32: 0>} : vector<200x1xi32>
    %get3A = arith.constant 0 : index
    %get3A_2 = arith.constant 0 : index
    %get3A_3 = vector.load %arg3[%get3A, %get3A_2] : memref<200x4096xi8, #tpu.memory_space<vmem>>, vector<200x4096xi8>
    %mul3A = arith.constant 4 : i32
    %mul3A_4 = arith.muli %arg0, %mul3A : i32
    %add3A = arith.constant 0 : i32
    %add3A_5 = arith.addi %mul3A_4, %add3A : i32
    %le3A = vector.broadcast %add3A_5 : i32 to vector<200x1xi32>
    %le3A_6 = arith.cmpi sle, %iota3A, %le3A : vector<200x1xi32>
    %jit3A = arith.constant 0 : i32
    %convert_element_type3A_7 = arith.trunci %jit3A : i32 to i8
    %broadcast_in_dim3A = vector.shape_cast %le3A_6 : vector<200x1xi1> to vector<200x1xi1>
    %broadcast_in_dim3A_8 = vector.broadcast %broadcast_in_dim3A : vector<200x1xi1> to vector<200x4096xi1>
    %broadcast_in_dim3A_9 = vector.broadcast %convert_element_type3A_7 : i8 to vector<200x4096xi8>
    %select_n3A = arith.select %broadcast_in_dim3A_8, %get3A_3, %broadcast_in_dim3A_9 : vector<200x4096xi1>, vector<200x4096xi8>
    %swap3A = arith.constant 0 : index
    %swap3A_10 = arith.constant 0 : index
    %swap3A_11 = arith.constant 0 : index
    %swap3A_12 = vector.load %arg2[%swap3A, %swap3A_10, %swap3A_11] : memref<4x200x4096xi8, #tpu.memory_space<vmem>>, vector<1x200x4096xi8>
    %swap3A_13 = vector.shape_cast %swap3A_12 : vector<1x200x4096xi8> to vector<200x4096xi8>
    %swap3A_14 = vector.shape_cast %select_n3A : vector<200x4096xi8> to vector<1x200x4096xi8>
    tpu.vector_store %arg2[%swap3A, %swap3A_10, %swap3A_11], %swap3A_14 {strides = array<i32>} : memref<4x200x4096xi8, #tpu.memory_space<vmem>>, vector<1x200x4096xi8>,
    %mul3A_15 = arith.constant 4 : i32
    %mul3A_16 = arith.muli %arg0, %mul3A_15 : i32
    %add3A_17 = arith.constant 1 : i32
    %add3A_18 = arith.addi %mul3A_16, %add3A_17 : i32
    %le3A_19 = vector.broadcast %add3A_18 : i32 to vector<200x1xi32>
    %le3A_20 = arith.cmpi sle, %iota3A, %le3A_19 : vector<200x1xi32>
    %jit3A_21 = arith.constant 0 : i32
    %convert_element_type3A_22 = arith.trunci %jit3A_21 : i32 to i8
    %broadcast_in_dim3A_23 = vector.shape_cast %le3A_20 : vector<200x1xi1> to vector<200x1xi1>
    %broadcast_in_dim3A_24 = vector.broadcast %broadcast_in_dim3A_23 : vector<200x1xi1> to vector<200x4096xi1>
    %broadcast_in_dim3A_25 = vector.broadcast %convert_element_type3A_22 : i8 to vector<200x4096xi8>
    %select_n3A_26 = arith.select %broadcast_in_dim3A_24, %get3A_3, %broadcast_in_dim3A_25 : vector<200x4096xi1>, vector<200x4096xi8>
    %swap3A_27 = arith.constant 1 : index
    %swap3A_28 = arith.constant 0 : index
    %swap3A_29 = arith.constant 0 : index
    %swap3A_30 = vector.load %arg2[%swap3A_27, %swap3A_28, %swap3A_29] : memref<4x200x4096xi8, #tpu.memory_space<vmem>>, vector<1x200x4096xi8>
    %swap3A_31 = vector.shape_cast %swap3A_30 : vector<1x200x4096xi8> to vector<200x4096xi8>
    %swap3A_32 = vector.shape_cast %select_n3A_26 : vector<200x4096xi8> to vector<1x200x4096xi8>
    tpu.vector_store %arg2[%swap3A_27, %swap3A_28, %swap3A_29], %swap3A_32 {strides = array<i32>} : memref<4x200x4096xi8, #tpu.memory_space<vmem>>, vector<1x200x4096xi8>,
    %mul3A_33 = arith.constant 4 : i32
    %mul3A_34 = arith.muli %arg0, %mul3A_33 : i32
    %add3A_35 = arith.constant 2 : i32
    %add3A_36 = arith.addi %mul3A_34, %add3A_35 : i32
    %le3A_37 = vector.broadcast %add3A_36 : i32 to vector<200x1xi32>
    %le3A_38 = arith.cmpi sle, %iota3A, %le3A_37 : vector<200x1xi32>
    %jit3A_39 = arith.constant 0 : i32
    %convert_element_type3A_40 = arith.trunci %jit3A_39 : i32 to i8
    %broadcast_in_dim3A_41 = vector.shape_cast %le3A_38 : vector<200x1xi1> to vector<200x1xi1>
    %broadcast_in_dim3A_42 = vector.broadcast %broadcast_in_dim3A_41 : vector<200x1xi1> to vector<200x4096xi1>
    %broadcast_in_dim3A_43 = vector.broadcast %convert_element_type3A_40 : i8 to vector<200x4096xi8>
    %select_n3A_44 = arith.select %broadcast_in_dim3A_42, %get3A_3, %broadcast_in_dim3A_43 : vector<200x4096xi1>, vector<200x4096xi8>
    %swap3A_45 = arith.constant 2 : index
    %swap3A_46 = arith.constant 0 : index
    %swap3A_47 = arith.constant 0 : index
    %swap3A_48 = vector.load %arg2[%swap3A_45, %swap3A_46, %swap3A_47] : memref<4x200x4096xi8, #tpu.memory_space<vmem>>, vector<1x200x4096xi8>
    %swap3A_49 = vector.shape_cast %swap3A_48 : vector<1x200x4096xi8> to vector<200x4096xi8>
    %swap3A_50 = vector.shape_cast %select_n3A_44 : vector<200x4096xi8> to vector<1x200x4096xi8>
    tpu.vector_store %arg2[%swap3A_45, %swap3A_46, %swap3A_47], %swap3A_50 {strides = array<i32>} : memref<4x200x4096xi8, #tpu.memory_space<vmem>>, vector<1x200x4096xi8>,
    %mul3A_51 = arith.constant 4 : i32
    %mul3A_52 = arith.muli %arg0, %mul3A_51 : i32
    %add3A_53 = arith.constant 3 : i32
    %add3A_54 = arith.addi %mul3A_52, %add3A_53 : i32
    %le3A_55 = vector.broadcast %add3A_54 : i32 to vector<200x1xi32>
    %le3A_56 = arith.cmpi sle, %iota3A, %le3A_55 : vector<200x1xi32>
    %jit3A_57 = arith.constant 0 : i32
    %convert_element_type3A_58 = arith.trunci %jit3A_57 : i32 to i8
    %broadcast_in_dim3A_59 = vector.shape_cast %le3A_56 : vector<200x1xi1> to vector<200x1xi1>
    %broadcast_in_dim3A_60 = vector.broadcast %broadcast_in_dim3A_59 : vector<200x1xi1> to vector<200x4096xi1>
    %broadcast_in_dim3A_61 = vector.broadcast %convert_element_type3A_58 : i8 to vector<200x4096xi8>
    %select_n3A_62 = arith.select %broadcast_in_dim3A_60, %get3A_3, %broadcast_in_dim3A_61 : vector<200x4096xi1>, vector<200x4096xi8>
    %swap3A_63 = arith.constant 3 : index
    %swap3A_64 = arith.constant 0 : index
    %swap3A_65 = arith.constant 0 : index
    %swap3A_66 = vector.load %arg2[%swap3A_63, %swap3A_64, %swap3A_65] : memref<4x200x4096xi8, #tpu.memory_space<vmem>>, vector<1x200x4096xi8>
    %swap3A_67 = vector.shape_cast %swap3A_66 : vector<1x200x4096xi8> to vector<200x4096xi8>
    %swap3A_68 = vector.shape_cast %select_n3A_62 : vector<200x4096xi8> to vector<1x200x4096xi8>
    tpu.vector_store %arg2[%swap3A_63, %swap3A_64, %swap3A_65], %swap3A_68 {strides = array<i32>} : memref<4x200x4096xi8, #tpu.memory_space<vmem>>, vector<1x200x4096xi8>,
    return
  }
  func.func @transform_0(%arg0: i32) -> (i32, i32) {
    %c0_i32 = arith.constant 0 : i32
    %c0_i32_0 = arith.constant 0 : i32
    %c0_i32_1 = arith.constant 0 : i32
    return %c0_i32, %c0_i32_0 : i32, i32
  }
  func.func @transform_1(%arg0: i32) -> (i32, i32, i32) {
    %c0_i32 = arith.constant 0 : i32
    %c0_i32_0 = arith.constant 0 : i32
    %c0_i32_1 = arith.constant 0 : i32
    return %arg0, %c0_i32, %c0_i32_0 : i32, i32, i32
  }
}

module attributes {stable_mosaic.version = 14 : i64} {
  func.func @_wprep_body(%arg0: i32, %arg1: memref<32x8192xf32, #tpu.memory_space<vmem>>, %arg2: memref<32x8192xf32, #tpu.memory_space<vmem>>, %arg3: memref<32x8192xf32, #tpu.memory_space<vmem>>, %arg4: memref<32x8192xf32, #tpu.memory_space<vmem>>, %arg5: memref<8192x128xf32, #tpu.memory_space<vmem>>) attributes {dimension_semantics = [#tpu.dimension_semantics<arbitrary>], iteration_bounds = array<i64: 32>, scalar_prefetch = 0 : i64, scratch_operands = 0 : i64, tpu.core_type = #tpu.core_type<tc>, window_params = [{transform_indices = @transform_0, window_bounds = array<i64: 32, 8192>}, {transform_indices = @transform_1, window_bounds = array<i64: 32, 8192>}, {transform_indices = @transform_2, window_bounds = array<i64: 32, 8192>}, {transform_indices = @transform_3, window_bounds = array<i64: 32, 8192>}, {transform_indices = @transform_4, window_bounds = array<i64: 8192, 128>}]} {
    %get3A = arith.constant 0 : index
    %get3A_0 = arith.constant 0 : index
    %get3A_1 = vector.load %arg1[%get3A, %get3A_0] : memref<32x8192xf32, #tpu.memory_space<vmem>>, vector<32x8192xf32>
    %transpose3A = tpu.transpose %get3A_1, [1, 0] : vector<32x8192xf32> -> vector<8192x32xf32>
    %swap3A = arith.constant 0 : index
    %swap3A_2 = arith.constant 0 : index
    %swap3A_3 = vector.load %arg5[%swap3A, %swap3A_2] : memref<8192x128xf32, #tpu.memory_space<vmem>>, vector<8192x32xf32>
    tpu.vector_store %arg5[%swap3A, %swap3A_2], %transpose3A {strides = array<i32>} : memref<8192x128xf32, #tpu.memory_space<vmem>>, vector<8192x32xf32>,
    %get3A_4 = arith.constant 0 : index
    %get3A_5 = arith.constant 0 : index
    %get3A_6 = vector.load %arg2[%get3A_4, %get3A_5] : memref<32x8192xf32, #tpu.memory_space<vmem>>, vector<32x8192xf32>
    %transpose3A_7 = tpu.transpose %get3A_6, [1, 0] : vector<32x8192xf32> -> vector<8192x32xf32>
    %swap3A_8 = arith.constant 0 : index
    %swap3A_9 = arith.constant 32 : index
    %swap3A_10 = vector.load %arg5[%swap3A_8, %swap3A_9] : memref<8192x128xf32, #tpu.memory_space<vmem>>, vector<8192x32xf32>
    tpu.vector_store %arg5[%swap3A_8, %swap3A_9], %transpose3A_7 {strides = array<i32>} : memref<8192x128xf32, #tpu.memory_space<vmem>>, vector<8192x32xf32>,
    %get3A_11 = arith.constant 0 : index
    %get3A_12 = arith.constant 0 : index
    %get3A_13 = vector.load %arg3[%get3A_11, %get3A_12] : memref<32x8192xf32, #tpu.memory_space<vmem>>, vector<32x8192xf32>
    %transpose3A_14 = tpu.transpose %get3A_13, [1, 0] : vector<32x8192xf32> -> vector<8192x32xf32>
    %swap3A_15 = arith.constant 0 : index
    %swap3A_16 = arith.constant 64 : index
    %swap3A_17 = vector.load %arg5[%swap3A_15, %swap3A_16] : memref<8192x128xf32, #tpu.memory_space<vmem>>, vector<8192x32xf32>
    tpu.vector_store %arg5[%swap3A_15, %swap3A_16], %transpose3A_14 {strides = array<i32>} : memref<8192x128xf32, #tpu.memory_space<vmem>>, vector<8192x32xf32>,
    %get3A_18 = arith.constant 0 : index
    %get3A_19 = arith.constant 0 : index
    %get3A_20 = vector.load %arg4[%get3A_18, %get3A_19] : memref<32x8192xf32, #tpu.memory_space<vmem>>, vector<32x8192xf32>
    %transpose3A_21 = tpu.transpose %get3A_20, [1, 0] : vector<32x8192xf32> -> vector<8192x32xf32>
    %swap3A_22 = arith.constant 0 : index
    %swap3A_23 = arith.constant 96 : index
    %swap3A_24 = vector.load %arg5[%swap3A_22, %swap3A_23] : memref<8192x128xf32, #tpu.memory_space<vmem>>, vector<8192x32xf32>
    tpu.vector_store %arg5[%swap3A_22, %swap3A_23], %transpose3A_21 {strides = array<i32>} : memref<8192x128xf32, #tpu.memory_space<vmem>>, vector<8192x32xf32>,
    return
  }
  func.func @transform_0(%arg0: i32) -> (i32, i32) {
    %add3A = arith.constant 0 : i32
    %add3A_0 = arith.addi %add3A, %arg0 : i32
    %min3A = arith.constant 122 : i32
    %min3A_1 = arith.minsi %add3A_0, %min3A : i32
    %c0_i32 = arith.constant 0 : i32
    %c0_i32_2 = arith.constant 0 : i32
    return %c0_i32, %min3A_1 : i32, i32
  }
  func.func @transform_1(%arg0: i32) -> (i32, i32) {
    %add3A = arith.constant 32 : i32
    %add3A_0 = arith.addi %add3A, %arg0 : i32
    %min3A = arith.constant 122 : i32
    %min3A_1 = arith.minsi %add3A_0, %min3A : i32
    %c0_i32 = arith.constant 0 : i32
    %c0_i32_2 = arith.constant 0 : i32
    return %c0_i32, %min3A_1 : i32, i32
  }
  func.func @transform_2(%arg0: i32) -> (i32, i32) {
    %add3A = arith.constant 64 : i32
    %add3A_0 = arith.addi %add3A, %arg0 : i32
    %min3A = arith.constant 122 : i32
    %min3A_1 = arith.minsi %add3A_0, %min3A : i32
    %c0_i32 = arith.constant 0 : i32
    %c0_i32_2 = arith.constant 0 : i32
    return %c0_i32, %min3A_1 : i32, i32
  }
  func.func @transform_3(%arg0: i32) -> (i32, i32) {
    %add3A = arith.constant 96 : i32
    %add3A_0 = arith.addi %add3A, %arg0 : i32
    %min3A = arith.constant 122 : i32
    %min3A_1 = arith.minsi %add3A_0, %min3A : i32
    %c0_i32 = arith.constant 0 : i32
    %c0_i32_2 = arith.constant 0 : i32
    return %c0_i32, %min3A_1 : i32, i32
  }
  func.func @transform_4(%arg0: i32) -> (i32, i32) {
    %c0_i32 = arith.constant 0 : i32
    %c0_i32_0 = arith.constant 0 : i32
    return %arg0, %c0_i32 : i32, i32
  }
}

</mosaic_0001>

<sc_bundles>
// kernel: kernel.5.cloned.1.call-start
scs
__scs_entry_jumppad:
0x0: {  	(pc) =	sbr.rel $0x88, $3  }
0x1: {  	(tag) =	ssettag $0x0;
	lr =	simm.s32 $0x1  }
0x2: {  	[smem:$0x3F9F] =	sst lr;
	_ =	strace $0xD0000000  }
0x3: {  	_ = 	snop  }
0x4: {  	_ = 	snop  }
0x5: {  	_ = 	snop  }
0x6: {  	_ = 	snop  }
0x7: {  	_ = 	snop  }
__scs_overlays_trampoline_lowered:
0x8: {  	[smem:$0x3FAE] =	sst s0  }
0x9: {  	[smem:$0x3FAF] =	sst s1  }
0xa: {  	[smem:$0x3FB0] =	sst s2  }
0xb: {  	[smem:$0x3FB1] =	sst s3  }
0xc: {  	[smem:$0x3FB2] =	sst s4  }
0xd: {  	[smem:$0x3FB3] =	sst s5  }
0xe: {  	[smem:$0x3FB4] =	sst s6  }
0xf: {  	[smem:$0x3FB5] =	sst s7  }
0x10: {  	[smem:$0x3FB6] =	sst s8  }
0x11: {  	[smem:$0x3FB7] =	sst s9;
	s0 =	simm.s32 @!p0 $0x0  }
0x12: {  	s1 =	sld [smem:$0x3F9D];
	s0 =	simm.s32 @p0 $0x1  }
0x13: {  	[smem:$0x3FB8] =	sst s0;
	s0 =	simm.s32 @!p1 $0x0  }
0x14: {  	s2 =	sld [smem:$0x3F9C];
	s0 =	simm.s32 @p1 $0x1  }
0x15: {  	[smem:$0x3FB9] =	sst s0;
	s0 =	simm.s32 @!p2 $0x0  }
0x16: {  	s3 =	sld [smem:$0x3FDB];
	s0 =	simm.s32 @p2 $0x1  }
0x17: {  	s4 =	simm.s32 $0x1BF5;
	[smem:$0x3FBB] =	sst s0  }
0x18: {  	s0 =	sld [smem:$0x3F9E];
	_ =	swait.ge [sflag:s4], $0x0  }
0x19: {  	s7 =	sld [smem:$0x3F9F]  }
0x1a: {  	s8 =	sadd.s32 $0xFFFFE003, lr  }
0x1b: {  	s9 =	sadd.s32 $0xFFFFFEF7, lr;
	s5 =	simm.s32 $0xFFFFFFFF;
	p2 =	slt.u32 s8, $0xFFFFF086  }
0x1c: {  	p1 =	slt.u32 s9, $0xF7A;
	s5 =	simm.s32 @!p2 $0x0  }
0x1d: {  	s5 =	simm.s32 @p1 $0x1;
	p0 =	seq.s32 s7, s2  }
0x1e: {  	s7 =	smul.u32 @!p0 $0xF7A, s2;
	p2 =	seq.s32 @!p0 s5, $0x0  }
0x1f: {  	s9 =	smul.u32 $0xF7A, s1;
	s8 =	simm.s32 @!p0 $0x1BF5;
	p2 =	por !p2, p0  }
0x20: {  	[sflag:s8] =	ssyncset.s32 @!p0 $0xFFFFF086;
	s6 =	sadd.s32 @!p0 s3, s7;
	s7 =	simm.s32 @!p0 $0x108  }
0x21: {  	s3 =	sadd.s32 s3, s9;
	s6 =	sadd.s32 @!p0 $0x88, s6;
	s7 =	simm.s32 @p2 $0x1082  }
0x22: {  	[simem:s7], [sflag:s8] =	dma.local @!p0 [hbm:s6], $0xF7A  }
0x23: {  	s9 =	sor.u32 $0xD0000000, s2;
	s6 =	simm.s32 $0x108;
	_ =	swait.ge @!p0 [sflag:s8], $0x0  }
0x24: {  	s3 =	sadd.s32 $0x88, s3;
	s6 =	simm.s32 @!p1 $0x1082;
	[sflag:s4] =	ssyncset.s32 $0xFFFFF086  }
0x25: {  	[simem:s6], [sflag:s4] =	dma.local [hbm:s3], $0xF7A  }
0x26: {  	[smem:$0x3F9F] =	sst s1;
	(tag) =	ssettag s2;
	_ =	strace s9  }
0x27: {  	s1 =	sld [smem:$0x3FAF]  }
0x28: {  	s2 =	sld [smem:$0x3FB0]  }
0x29: {  	s4 =	sld [smem:$0x3FB2]  }
0x2a: {  	p0 =	seq.s32 s5, $0x0;
	s5 =	sld [smem:$0x3FB3]  }
0x2b: {  	s6 =	sld [smem:$0x3FB4]  }
0x2c: {  	s7 =	sld [smem:$0x3FB5]  }
0x2d: {  	s3 =	simm.s32 $0x108;
	s8 =	sld [smem:$0x3FB6]  }
0x2e: {  	s3 =	simm.s32 @!p0 $0x1082;
	s9 =	sld [smem:$0x3FB7]  }
0x2f: {  	lr =	sadd.s32 s0, s3;
	s0 =	sld [smem:$0x3FAE]  }
0x30: {  	s3 =	sld [smem:$0x3FB1]  }
0x31: {  	[smem:$0x3FBA] =	sst s10  }
0x32: {  	s10 =	sld [smem:$0x3FB8];
	_ =	sdelay $0x3  }
0x33: {  	p0 =	seq.s32 s10, $0x1;
	s10 =	sld [smem:$0x3FBA];
	_ =	sdelay $0x3  }
0x34: {  	[smem:$0x3FBA] =	sst s10  }
0x35: {  	s10 =	sld [smem:$0x3FB9];
	_ =	sdelay $0x3  }
0x36: {  	p1 =	seq.s32 s10, $0x1;
	s10 =	sld [smem:$0x3FBA];
	_ =	sdelay $0x3  }
0x37: {  	[smem:$0x3FBA] =	sst s10  }
0x38: {  	s10 =	sld [smem:$0x3FBB]  }
0x39: {  	_ = 	snop;
	(pc) =	sbr.ind lr, $3  }
0x3a: {  	_ = 	snop  }
0x3b: {  	_ = 	snop  }
0x3c: {  	p2 =	seq.s32 s10, $0x1;
	s10 =	sld [smem:$0x3FBA]  }
0x3d: {  	_ =	shalt  }
0x3e: {  	_ =	shalt  }
0x3f: {  	_ =	shalt  }
0x40: {  	_ =	shalt  }
0x41: {  	_ =	shalt  }
0x42: {  	_ =	shalt  }
0x43: {  	_ =	shalt  }
0x44: {  	_ =	shalt  }
0x45: {  	_ =	shalt  }
0x46: {  	_ =	shalt  }
0x47: {  	_ =	shalt  }
0x48: {  	_ =	shalt  }
0x49: {  	_ =	shalt  }
0x4a: {  	_ =	shalt  }
0x4b: {  	_ =	shalt  }
0x4c: {  	_ =	shalt  }
0x4d: {  	_ =	shalt  }
0x4e: {  	_ =	shalt  }
0x4f: {  	_ =	shalt  }
0x50: {  	_ =	shalt  }
0x51: {  	_ =	shalt  }
0x52: {  	_ =	shalt  }
0x53: {  	_ =	shalt  }
0x54: {  	_ =	shalt  }
0x55: {  	_ =	shalt  }
0x56: {  	_ =	shalt  }
0x57: {  	_ =	shalt  }
0x58: {  	_ =	shalt  }
0x59: {  	_ =	shalt  }
0x5a: {  	_ =	shalt  }
0x5b: {  	_ =	shalt  }
0x5c: {  	_ =	shalt  }
0x5d: {  	_ =	shalt  }
0x5e: {  	_ =	shalt  }
0x5f: {  	_ =	shalt  }
0x60: {  	_ =	shalt  }
0x61: {  	_ =	shalt  }
0x62: {  	_ =	shalt  }
0x63: {  	_ =	shalt  }
0x64: {  	_ =	shalt  }
0x65: {  	_ =	shalt  }
0x66: {  	_ =	shalt  }
0x67: {  	_ =	shalt  }
0x68: {  	_ =	shalt  }
0x69: {  	_ =	shalt  }
0x6a: {  	_ =	shalt  }
0x6b: {  	_ =	shalt  }
0x6c: {  	_ =	shalt  }
0x6d: {  	_ =	shalt  }
0x6e: {  	_ =	shalt  }
0x6f: {  	_ =	shalt  }
0x70: {  	_ =	shalt  }
0x71: {  	_ =	shalt  }
0x72: {  	_ =	shalt  }
0x73: {  	_ =	shalt  }
0x74: {  	_ =	shalt  }
0x75: {  	_ =	shalt  }
0x76: {  	_ =	shalt  }
0x77: {  	_ =	shalt  }
0x78: {  	_ =	shalt  }
0x79: {  	_ =	shalt  }
0x7a: {  	_ =	shalt  }
0x7b: {  	_ =	shalt  }
0x7c: {  	_ =	shalt  }
0x7d: {  	_ =	shalt  }
0x7e: {  	_ =	shalt  }
0x7f: {  	_ =	shalt  }
0x80: {  	_ =	shalt  }
0x81: {  	_ =	shalt  }
0x82: {  	_ =	shalt  }
0x83: {  	_ =	shalt  }
0x84: {  	_ =	shalt  }
0x85: {  	_ =	shalt  }
0x86: {  	_ =	shalt  }
0x87: {  	_ =	shalt  }
.Lfunc_end0:
.L_simem_size_0:
called_computation.1_lowered:
.L_overlay_start_0:
0x88: {  	s2 =	sld [smem:$0x3FD9]  }
0x89: {  	s3 =	sld [smem:$0x3FFE];
	_ =	sdelay $0x1  }
0x8a: {  	s1 =	srdreg.scid  }
0x8b: {  	s0 =	sand.u32 $0x1, s1  }
0x8c: {  	s14 =	sshll.u32 s0, $0xA;
	s2 =	sadd.s32 s3, s2  }
0x8d: {  	s2 =	sadd.s32 s2, s14  }
0x8e: {  	[smem:$0x3FC6] =	sst s2  }
0x8f: {  	_ = 	snop  }
0x90: {  	s2 =	sld [smem:$0x3FD0];
	_ =	sdelay $0x2  }
0x91: {  	s15 =	simm.s32 $0xA;
	s4 =	simm.s32 $0x10  }
0x92: {  	[smem:s4], [sflag:s15] =	dma.local [hbm:s2], $0x1  }
0x93: {  	_ =	swait.eq [sflag:s15], $0x1  }
0x94: {  	[sflag:s15] =	ssyncset.done $0x0  }
0x95: {  	[sflag:s15] =	ssyncadd.s32 $0xFFFFFFFF  }
0x96: {  	s16 =	sld [smem:$0x10];
	(tm) =	ssettm $0x1  }
0x97: {  	s17 =	sld [smem:$0x3FFB];
	_ =	sdelay $0x3  }
0x98: {  	_ =	strace s17  }
0x99: {  	s3 =	sld [smem:$0x3FFC];
	_ =	sdelay $0x3  }
0x9a: {  	_ =	strace s3  }
0x9b: {  	s3 =	sld [smem:$0x3FFD];
	_ =	sdelay $0x3  }
0x9c: {  	_ =	strace s3  }
0x9d: {  	_ =	strace $0x8FFFFFFF  }
0x9e: {  	s18 =	sld [smem:$0x3FDB];
	_ =	sdelay $0x1  }
0x9f: {  	s19 =	simm.s32 $_scs_section_size  }
0xa0: {  	s5 =	simm.s32 $_size__tile_overlayer_lowered;
	s6 =	simm.s32 $_tile_overlayer_lowered  }
0xa1: {  	s22 =	simm.s32 $0x1BFF;
	s21 =	sshll.u32 s6, $0x1;
	s3 =	sadd.s32 s19, s18  }
0xa2: {  	s7 =	simm.s32 $0x0;
	s20 =	sshll.u32 s5, $0x1;
	s5 =	sadd.s32 s21, s3  }
0xa3: {  	[timem:s7], [sflag:s22] =	dma.local [hbm:s5], s20  }
0xa4: {  	_ =	swait.ge [sflag:s22], s20  }
0xa5: {  	s4 =	ssub.s32 $0x0, s20;
	[sflag:s22] =	ssyncset.done $0x0  }
0xa6: {  	[sflag:s22] =	ssyncadd.s32 s4;
	_ =	sdelay $0x1  }
0xa7: {  	s23 =	simm.s32 $0x1B8B  }
0xa8: {  	_ =	swait.ge [sflag:s23], $0x1  }
0xa9: {  	[sflag:s23] =	ssyncset.done $0x0  }
0xaa: {  	s25 =	simm.s32 $0x1B8E;
	s24 =	sld [smem:$0x3FFE];
	[sflag:s23] =	ssyncadd.s32 $0xFFFFFFFF  }
0xab: {  	s26 =	simm.s32 $execute0_lowered;
	[smem:$0x3FD2] =	sst s25  }
0xac: {  	s5 =	sshll.u32 s26, $0x1;
	_ =	strace $0x80000046;
	[dreg:$0x1] =	wrdreg $0xFFFFFFFF  }
0xad: {  	s28 =	simm.s32 $_size_execute0_lowered;
	s3 =	sadd.s32 s3, s5;
	[dreg:$0x0] =	wrdreg $0x0  }
0xae: {  	s5 =	sshll.u32 s28, $0x1;
	[dreg:$0x2] =	wrdreg s3  }
0xaf: {  	[dreg:$0x3] =	wrdreg s5  }
0xb0: {  	[dreg:$0x4] =	wrdreg $0xC0  }
0xb1: {  	_ =	task [dreg:s7], $0x5FFFF  }
0xb2: {  	[dreg:$0x1] =	wrdreg $0xFFFFFFFF  }
0xb3: {  	[dreg:$0x0] =	wrdreg $0x60  }
0xb4: {  	[dreg:$0x2] =	wrdreg s24  }
0xb5: {  	[dreg:$0x3] =	wrdreg s16  }
0xb6: {  	[dreg:$0x4] =	wrdreg $0x9  }
0xb7: {  	_ =	task.clear_ibuf [dreg:s7], $0x5FFFF;
	_ =	strace $0x90000046  }
0xb8: {  	s29 =	simm.s32 $0x9;
	_ =	strace $0x80000048  }
0xb9: {  	_ =	swait.ge [sflag:s29], $0x1  }
0xba: {  	[sflag:s29] =	ssyncadd.s32 $0xFFFFFFFF  }
0xbb: {  	_ =	strace $0x90000048  }
0xbc: {  	_ =	sfence  }
0xbd: {  	s30 =	sld [smem:$0x0];
	_ =	sdelay $0x2  }
0xbe: {  	s31 =	sshll.u32 s1, $0xD;
	s1 =	sshrl.u32 s1, $0x2  }
0xbf: {  	s3 =	sand.u32 $0x4000, s31;
	s1 =	sadd.s32 s1, s30  }
0xc0: {  	s0 =	sor.u32 s3, s0;
	s1 =	sshll.u32 s1, $0x11  }
0xc1: {  	s0 =	sor.u32 s1, s0  }
0xc2: {  	s0 =	sadd.s32 $0x8F2B, s0  }
0xc3: {  	[sflag:s0] =	ssyncadd.remote.s32 $0x1  }
0xc4: {  	_ =	sfence.sel $0xFFFF  }
0xc5: {  	[dreg:$0x0] =	wrdreg $0xFFFFFFFF;
	(pc) =	sbr.abs _section_cstart, $3  }
0xc6: {  	[dreg:$0x1] =	wrdreg $0xFFFFFFFF  }
0xc7: {  	_ =	task.clear_ibuf [dreg:s7], $0x2FFFF;
	_ =	strace $0x9FFFFFFF  }
0xc8: {  	(tm) =	ssettm $0x7FFFFFFF  }
0xc9: {  	_ =	shalt  }
tec
execute0_lowered:
.L_overlay_start_1:
0x0: {  	(tag) =	ssettag $0x1  }
0x1: {  	s3 =	rddreg [dreg:$0x0]  }
0x2: {  	s0 =	rddreg [dreg:$0x1];
	s4 =	srdreg.scid  }
0x3: {  	s1 =	stileid.u32;
	s2 =	simm.s32 $0x0;
	s31 =	simm.s32 $0x400  }
0x4: {  	s9 =	simm.s32 $0x1800;
	s10 =	simm.s32 $0x500;
	s11 =	simm.s32 $0x2800  }
0x5: {  	s12 =	simm.s32 $0x580;
	s13 =	simm.s32 $0x3800;
	s14 =	simm.s32 $0x600  }
0x6: {  	s15 =	simm.s32 $0x4800;
	s16 =	simm.s32 $0x680;
	s17 =	simm.s32 $0x5800  }
0x7: {  	s18 =	simm.s32 $0x700;
	s19 =	simm.s32 $0x6800;
	s20 =	simm.s32 $0x780  }
0x8: {  	s21 =	simm.s32 $0x7800;
	s22 =	simm.s32 $0x1;
	[dreg:$0x4] =	wrdreg s0  }
0x9: {  	s23 =	simm.s32 $0x0;
	s0 =	rddreg [dreg:$0x2];
	s4 =	sand.u32 $0x1, s4  }
0xa: {  	s5 =	smul.u32 $0x32, s1;
	[smem:$0x7FF] =	sst s2;
	s7 =	sadd.s32 $0x400C00, s3  }
0xb: {  	s3 =	sadd.s32 $0xC00, s3;
	s6 =	ssub.s32 $0x2, s4;
	s4 =	smul.u32 $0x19, s4  }
0xc: {  	_ =	strace $0x80000047;
	[dreg:$0x3] =	wrdreg s7;
	s8 =	sshrl.u32 s6, $0x1  }
0xd: {  	[dreg:$0x6] =	wrdreg s31;
	s7 =	simm.s32 $0x800;
	s6 =	ssub.s32 s6, s8  }
0xe: {  	s5 =	sadd.s32 s4, s5;
	s8 =	simm.s32 $0x480;
	s4 =	smax.u32 s6, $0x1  }
0xf: {  	[dreg:$0x5] =	wrdreg s5;
	s5 =	simm.s32 $0x2;
	s6 =	simm.s32 $0x80  }
.LBB2_1:
0x10: {  	s24 =	simm.s32 $0x0  }
.LBB2_2:
0x11: {  	s25 =	rddreg [dreg:$0x5]  }
0x12: {  	s25 =	sadd.s32 s24, s25  }
0x13: {  	s26 =	sand.u32 $0x3, s25  }
0x14: {  	s28 =	rddreg [dreg:$0x3];
	s25 =	sshrl.u32 s25, $0x2;
	s29 =	sshll.u32 s26, $0x7  }
0x15: {  	s30 =	sshll.u32 s25, $0x9;
	s28 =	sadd.s32 s28, s29  }
0x16: {  	s28 =	sadd.s32 s30, s28  }
0x17: {  	[tilespmem:s2], [sflag:$0x2] =	stream.linear.gather [hbm4b:s28+s2], $0x400, $0x38;
	[tilespmem:$0x8800] =	vst v63  }
0x18: {  	_ =	swait.ge [sflag:s5], $0x400  }
0x19: {  	[sflag:s5] =	ssyncset.done $0x0  }
0x1a: {  	[sflag:s5] =	ssyncadd.s32 $0xFFFFFC00  }
0x1b: {  	v0 =	vld [tilespmem:$0x0]  }
0x1c: {  	v1 =	vld [tilespmem:$0x10]  }
0x1d: {  	v2 =	vld [tilespmem:$0x20]  }
0x1e: {  	v3 =	vld [tilespmem:$0x30]  }
0x1f: {  	v5 =	vld [tilespmem:$0x40]  }
0x20: {  	v7 =	vld [tilespmem:$0x50]  }
0x21: {  	v41 =	vld [tilespmem:$0x60]  }
0x22: {  	v9 =	vld [tilespmem:$0x70]  }
0x23: {  	v10 =	vld [tilespmem:$0x80]  }
0x24: {  	v46 =	vld [tilespmem:$0x90]  }
0x25: {  	v12 =	vld [tilespmem:$0xA0]  }
0x26: {  	v13 =	vld [tilespmem:$0xB0]  }
0x27: {  	v51 =	vld [tilespmem:$0xC0]  }
0x28: {  	v15 =	vld [tilespmem:$0xD0]  }
0x29: {  	v16 =	vld [tilespmem:$0xE0];
	v4 =	vshll.u32 v0, $0x2;
	v6 =	vshll.u32 v1, $0x2;
	v0 =	vshrl.u32 v0, $0x12  }
0x2a: {  	v56 =	vld [tilespmem:$0xF0];
	v1 =	vshrl.u32 v1, $0x12;
	v40 =	vshll.u32 v2, $0x2;
	v2 =	vshrl.u32 v2, $0x12  }
0x2b: {  	v18 =	vld [tilespmem:$0x100];
	v8 =	vshll.u32 v3, $0x2;
	v43 =	vshll.u32 v5, $0x2;
	v3 =	vshrl.u32 v3, $0x12  }
0x2c: {  	v19 =	vld [tilespmem:$0x110];
	v5 =	vshrl.u32 v5, $0x12;
	v45 =	vshll.u32 v7, $0x2;
	v7 =	vshrl.u32 v7, $0x12  }
0x2d: {  	v60 =	vld [tilespmem:$0x120];
	v11 =	vshll.u32 v41, $0x2;
	v48 =	vshll.u32 v9, $0x2;
	v9 =	vshrl.u32 v9, $0x12  }
0x2e: {  	v21 =	vld [tilespmem:$0x130];
	v50 =	vshll.u32 v10, $0x2;
	v10 =	vshrl.u32 v10, $0x12;
	v14 =	vshll.u32 v46, $0x2  }
0x2f: {  	v22 =	vld [tilespmem:$0x140];
	v53 =	vshll.u32 v12, $0x2;
	v12 =	vshrl.u32 v12, $0x12;
	v55 =	vshll.u32 v13, $0x2  }
0x30: {  	v24 =	vld [tilespmem:$0x150];
	v13 =	vshrl.u32 v13, $0x12;
	v17 =	vshll.u32 v51, $0x2;
	v58 =	vshll.u32 v15, $0x2  }
0x31: {  	v15 =	vshrl.u32 v15, $0x12;
	v59 =	vshll.u32 v16, $0x2;
	v16 =	vshrl.u32 v16, $0x12  }
0x32: {  	v20 =	vshll.u32 v56, $0x2;
	v62 =	vshll.u32 v18, $0x2;
	v18 =	vshrl.u32 v18, $0x12  }
0x33: {  	v63 =	vshll.u32 v19, $0x2;
	v26 =	vshrl.u32 v19, $0x12;
	v27 =	vshll.u32 v60, $0x2  }
0x34: {  	v23 =	vld [tilespmem:$0x160];
	v29 =	vshll.u32 v21, $0x2;
	v30 =	vshrl.u32 v60, $0x12;
	v32 =	vshrl.u32 v21, $0x12  }
0x35: {  	v36 =	vld [tilespmem:$0x180];
	v35 =	vshll.u32 v22, $0x2;
	v37 =	vshrl.u32 v22, $0x12;
	v38 =	vshll.u32 v24, $0x2  }
0x36: {  	v39 =	vld [tilespmem:$0x190];
	v4 =	vand.u32 $0xFFFFC, v4;
	v6 =	vand.u32 $0xFFFFC, v6;
	v42 =	vand.u32 $0xFFFFC, v8  }
0x37: {  	v8 =	vand.u32 $0xFFFFC, v43;
	v47 =	vand.u32 $0xFFFFC, v11;
	v11 =	vand.u32 $0xFFFFC, v48  }
0x38: {  	v52 =	vand.u32 $0xFFFFC, v14;
	v14 =	vand.u32 $0xFFFFC, v53;
	v57 =	vand.u32 $0xFFFFC, v17  }
0x39: {  	v17 =	vand.u32 $0xFFFFC, v58;
	v61 =	vand.u32 $0xFFFFC, v20;
	v20 =	vand.u32 $0xFFFFC, v62  }
0x3a: {  	v25 =	vand.u32 $0xFFFFC, v63;
	v28 =	vand.u32 $0xFFFFC, v27;
	v31 =	vand.u32 $0xFFFFC, v29  }
0x3b: {  	v43 =	vshrl.u32 v23, $0x12;
	v48 =	vshll.u32 v36, $0x2;
	v53 =	vshrl.u32 v39, $0x12  }
0x3c: {  	v0 =	vor.u32 v0, v4;
	v1 =	vor.u32 v1, v6;
	v4 =	vand.u32 $0xFFFFC, v40  }
0x3d: {  	v33 =	vld [tilespmem:$0x170];
	v3 =	vor.u32 v3, v42;
	v44 =	vor.u32 v5, v8;
	v5 =	vand.u32 $0xFFFFC, v45  }
0x3e: {  	v6 =	vshrl.u32 v41, $0x12;
	v49 =	vor.u32 v9, v11;
	v9 =	vand.u32 $0xFFFFC, v50  }
0x3f: {  	v8 =	vshrl.u32 v46, $0x12;
	v54 =	vor.u32 v12, v14;
	v12 =	vand.u32 $0xFFFFC, v55  }
0x40: {  	v11 =	vshrl.u32 v51, $0x12;
	v14 =	vshrl.u32 v56, $0x12;
	v34 =	vor.u32 v32, v31;
	[tilespmem:$0x400] =	vst v0  }
0x41: {  	v40 =	vand.u32 $0xFFFFC, v38;
	v41 =	vshll.u32 v23, $0x2;
	v42 =	vshrl.u32 v24, $0x12;
	[tilespmem:$0x410] =	vst v1  }
0x42: {  	v45 =	vshll.u32 v33, $0x2;
	v50 =	vand.u32 $0xFFFFC, v48;
	v51 =	vshll.u32 v39, $0x2;
	[tilespmem:$0x430] =	vst v3  }
0x43: {  	v2 =	vor.u32 v2, v4;
	v5 =	vor.u32 v7, v5;
	v6 =	vor.u32 v6, v47;
	[tilespmem:$0x440] =	vst v44  }
0x44: {  	v63 =	vld [tilespmem:$0x200];
	v9 =	vor.u32 v10, v9;
	v8 =	vor.u32 v8, v52;
	v12 =	vor.u32 v13, v12;
	[tilespmem:$0x470] =	vst v49  }
0x45: {  	v46 =	vld [tilespmem:$0x1B0];
	v11 =	vor.u32 v11, v57;
	v13 =	vor.u32 v15, v17;
	v15 =	vand.u32 $0xFFFFC, v59;
	[tilespmem:$0x4A0] =	vst v54  }
0x46: {  	v56 =	vld [tilespmem:$0x1E0];
	v14 =	vor.u32 v14, v61;
	v0 =	vor.u32 v26, v25;
	v1 =	vor.u32 v30, v28;
	[tilespmem:$0x530] =	vst v34  }
0x47: {  	v23 =	vld [tilespmem:$0x210];
	v3 =	vand.u32 $0xFFFFC, v35;
	v4 =	vor.u32 v42, v40;
	v47 =	vshrl.u32 v33, $0x12;
	[tilespmem:$0x450] =	vst v5  }
0x48: {  	v44 =	vld [tilespmem:$0x1A0];
	v52 =	vshrl.u32 v36, $0x12;
	v15 =	vor.u32 v16, v15;
	v16 =	vor.u32 v18, v20;
	[tilespmem:$0x460] =	vst v6  }
0x49: {  	v49 =	vld [tilespmem:$0x1C0];
	v3 =	vor.u32 v37, v3;
	v5 =	vand.u32 $0xFFFFC, v41;
	[tilespmem:$0x480] =	vst v9;
	v6 =	vand.u32 $0xFFFFC, v45  }
0x4a: {  	v54 =	vld [tilespmem:$0x1D0];
	[tilespmem:$0x490] =	vst v8;
	v9 =	vand.u32 $0xFFFFC, v51;
	v8 =	vor.u32 v52, v50;
	v5 =	vor.u32 v43, v5  }
0x4b: {  	v59 =	vld [tilespmem:$0x1F0];
	[tilespmem:$0x420] =	vst v2;
	v6 =	vor.u32 v47, v6;
	v9 =	vor.u32 v53, v9;
	v35 =	vshll.u32 v63, $0x2  }
0x4c: {  	v26 =	vld [tilespmem:$0x220];
	[tilespmem:$0x4B0] =	vst v12;
	v38 =	vshrl.u32 v63, $0x12;
	v58 =	vshll.u32 v46, $0x2;
	v7 =	vshrl.u32 v46, $0x12  }
0x4d: {  	v33 =	vld [tilespmem:$0x230];
	[tilespmem:$0x4C0] =	vst v11;
	v25 =	vshll.u32 v56, $0x2;
	v30 =	vshrl.u32 v56, $0x12;
	v37 =	vand.u32 $0xFFFFC, v35  }
0x4e: {  	v36 =	vld [tilespmem:$0x240];
	[tilespmem:$0x4D0] =	vst v13;
	v39 =	vshll.u32 v23, $0x2;
	v43 =	vshrl.u32 v23, $0x12;
	v55 =	vshll.u32 v44, $0x2  }
0x4f: {  	v40 =	vld [tilespmem:$0x250];
	[tilespmem:$0x4F0] =	vst v14;
	v57 =	vshrl.u32 v44, $0x12;
	v60 =	vand.u32 $0xFFFFC, v58;
	v61 =	vshll.u32 v49, $0x2  }
0x50: {  	[tilespmem:$0x510] =	vst v0;
	v62 =	vshrl.u32 v49, $0x12;
	v22 =	vshll.u32 v54, $0x2;
	v24 =	vshrl.u32 v54, $0x12  }
0x51: {  	[tilespmem:$0x520] =	vst v1;
	v28 =	vand.u32 $0xFFFFC, v25;
	v29 =	vshll.u32 v59, $0x2;
	v32 =	vshrl.u32 v59, $0x12  }
0x52: {  	[tilespmem:$0x540] =	vst v3;
	v3 =	vor.u32 v38, v37;
	v41 =	vand.u32 $0xFFFFC, v39;
	v42 =	vshll.u32 v26, $0x2  }
0x53: {  	[tilespmem:$0x550] =	vst v4;
	v45 =	vld [tilespmem:$0x260];
	v44 =	vshrl.u32 v26, $0x12;
	v47 =	vshll.u32 v33, $0x2;
	v49 =	vshrl.u32 v33, $0x12  }
0x54: {  	v51 =	vld [tilespmem:$0x280];
	[tilespmem:$0x4E0] =	vst v15;
	v50 =	vshll.u32 v36, $0x2;
	v53 =	vshll.u32 v40, $0x2;
	v54 =	vshrl.u32 v36, $0x12  }
0x55: {  	[tilespmem:$0x500] =	vst v16;
	v10 =	vand.u32 $0xFFFFC, v55;
	v13 =	vand.u32 $0xFFFFC, v61;
	v7 =	vor.u32 v7, v60  }
0x56: {  	[tilespmem:$0x580] =	vst v8;
	v31 =	vand.u32 $0xFFFFC, v29;
	v1 =	vor.u32 v30, v28;
	v12 =	vand.u32 $0xFFFFC, v42  }
0x57: {  	v48 =	vld [tilespmem:$0x270];
	[tilespmem:$0x570] =	vst v6;
	v4 =	vor.u32 v43, v41;
	v6 =	vand.u32 $0xFFFFC, v47;
	v52 =	vand.u32 $0xFFFFC, v50  }
0x58: {  	[tilespmem:$0x590] =	vst v9;
	v9 =	vand.u32 $0xFFFFC, v53;
	v55 =	vshrl.u32 v40, $0x12;
	v59 =	vshll.u32 v45, $0x2  }
0x59: {  	[tilespmem:$0x560] =	vst v5;
	v61 =	vshrl.u32 v45, $0x12;
	v20 =	vshll.u32 v51, $0x2;
	v10 =	vor.u32 v57, v10  }
0x5a: {  	v63 =	vld [tilespmem:$0x2B0];
	[tilespmem:$0x600] =	vst v3;
	v21 =	vor.u32 v62, v13;
	v13 =	vand.u32 $0xFFFFC, v22;
	v34 =	vor.u32 v32, v31  }
0x5b: {  	v56 =	vld [tilespmem:$0x290];
	v46 =	vor.u32 v44, v12;
	v6 =	vor.u32 v49, v6;
	[tilespmem:$0x5B0] =	vst v7;
	v57 =	vor.u32 v54, v52  }
0x5c: {  	v23 =	vld [tilespmem:$0x2C0];
	v58 =	vor.u32 v55, v9;
	v9 =	vand.u32 $0xFFFFC, v59;
	v62 =	vshll.u32 v48, $0x2;
	[tilespmem:$0x5E0] =	vst v1  }
0x5d: {  	v35 =	vld [tilespmem:$0x2F0];
	v11 =	vand.u32 $0xFFFFC, v20;
	v22 =	vshrl.u32 v51, $0x12;
	[tilespmem:$0x610] =	vst v4;
	v27 =	vor.u32 v24, v13  }
0x5e: {  	v26 =	vld [tilespmem:$0x2D0];
	[tilespmem:$0x5C0] =	vst v21;
	v18 =	vor.u32 v61, v9;
	v19 =	vand.u32 $0xFFFFC, v62;
	v21 =	vshrl.u32 v48, $0x12  }
0x5f: {  	v38 =	vld [tilespmem:$0x300];
	[tilespmem:$0x5F0] =	vst v34;
	v24 =	vor.u32 v22, v11;
	v32 =	vshll.u32 v63, $0x2;
	v34 =	vshrl.u32 v63, $0x12  }
0x60: {  	v60 =	vld [tilespmem:$0x2A0];
	[tilespmem:$0x5A0] =	vst v10;
	v1 =	vor.u32 v21, v19;
	v25 =	vshll.u32 v56, $0x2;
	v28 =	vshrl.u32 v56, $0x12  }
0x61: {  	[tilespmem:$0x620] =	vst v46;
	v9 =	vand.u32 $0xFFFFC, v32;
	v37 =	vshll.u32 v23, $0x2;
	v39 =	vshrl.u32 v23, $0x12  }
0x62: {  	v30 =	vld [tilespmem:$0x2E0];
	[tilespmem:$0x5D0] =	vst v27;
	v48 =	vshll.u32 v35, $0x2;
	v51 =	vshrl.u32 v35, $0x12;
	v27 =	vand.u32 $0xFFFFC, v25  }
0x63: {  	v41 =	vld [tilespmem:$0x310];
	[tilespmem:$0x630] =	vst v6;
	v36 =	vor.u32 v34, v9;
	v6 =	vand.u32 $0xFFFFC, v37;
	v40 =	vshll.u32 v26, $0x2  }
0x64: {  	v53 =	vld [tilespmem:$0x340];
	[tilespmem:$0x640] =	vst v57;
	v44 =	vshrl.u32 v26, $0x12;
	v50 =	vand.u32 $0xFFFFC, v48;
	v52 =	vshll.u32 v38, $0x2  }
0x65: {  	[tilespmem:$0x650] =	vst v58;
	v56 =	vshrl.u32 v38, $0x12;
	v29 =	vshll.u32 v60, $0x2;
	v3 =	vor.u32 v28, v27  }
0x66: {  	v49 =	vld [tilespmem:$0x330];
	[tilespmem:$0x660] =	vst v18;
	v33 =	vshrl.u32 v60, $0x12;
	v6 =	vor.u32 v39, v6;
	v42 =	vand.u32 $0xFFFFC, v40  }
0x67: {  	v46 =	vld [tilespmem:$0x320];
	[tilespmem:$0x680] =	vst v24;
	v43 =	vshll.u32 v30, $0x2;
	v45 =	vshrl.u32 v30, $0x12;
	v2 =	vor.u32 v51, v50  }
0x68: {  	v58 =	vld [tilespmem:$0x350];
	[tilespmem:$0x670] =	vst v1;
	v54 =	vand.u32 $0xFFFFC, v52;
	v55 =	vshll.u32 v41, $0x2;
	v57 =	vshrl.u32 v41, $0x12  }
0x69: {  	v61 =	vld [tilespmem:$0x360];
	[tilespmem:$0x6B0] =	vst v36;
	v16 =	vshll.u32 v53, $0x2;
	v18 =	vshrl.u32 v53, $0x12;
	v31 =	vand.u32 $0xFFFFC, v29  }
0x6a: {  	v13 =	vld [tilespmem:$0x370];
	v8 =	vand.u32 $0xFFFFC, v43;
	v0 =	vor.u32 v44, v42;
	[tilespmem:$0x690] =	vst v3;
	v7 =	vand.u32 $0xFFFFC, v55  }
0x6b: {  	v22 =	vld [tilespmem:$0x390];
	v3 =	vor.u32 v56, v54;
	[tilespmem:$0x6C0] =	vst v6;
	v63 =	vshll.u32 v49, $0x2;
	v17 =	vshrl.u32 v49, $0x12  }
0x6c: {  	v6 =	vand.u32 $0xFFFFC, v16;
	[tilespmem:$0x6F0] =	vst v2;
	v4 =	vor.u32 v33, v31;
	v47 =	vor.u32 v45, v8  }
0x6d: {  	v19 =	vld [tilespmem:$0x380];
	v59 =	vor.u32 v57, v7;
	v60 =	vshll.u32 v46, $0x2;
	v62 =	vshrl.u32 v46, $0x12;
	[tilespmem:$0x6D0] =	vst v0  }
0x6e: {  	v15 =	vand.u32 $0xFFFFC, v63;
	v20 =	vor.u32 v18, v6;
	v21 =	vshll.u32 v58, $0x2;
	[tilespmem:$0x700] =	vst v3  }
0x6f: {  	v26 =	vld [tilespmem:$0x3A0];
	v24 =	vshrl.u32 v58, $0x12;
	v25 =	vshll.u32 v61, $0x2;
	v28 =	vshll.u32 v13, $0x2;
	[tilespmem:$0x6A0] =	vst v4  }
0x70: {  	v34 =	vld [tilespmem:$0x3C0];
	v29 =	vshrl.u32 v61, $0x12;
	v30 =	vshrl.u32 v13, $0x12;
	v37 =	vshll.u32 v22, $0x2;
	[tilespmem:$0x6E0] =	vst v47  }
0x71: {  	v38 =	vld [tilespmem:$0x3D0];
	v41 =	vshrl.u32 v22, $0x12;
	v5 =	vand.u32 $0xFFFFC, v60;
	v1 =	vor.u32 v17, v15;
	[tilespmem:$0x710] =	vst v59  }
0x72: {  	v23 =	vand.u32 $0xFFFFC, v21;
	v27 =	vand.u32 $0xFFFFC, v25;
	v33 =	vshll.u32 v19, $0x2;
	[tilespmem:$0x740] =	vst v20  }
0x73: {  	v36 =	vshrl.u32 v19, $0x12;
	v39 =	vand.u32 $0xFFFFC, v37;
	v14 =	vor.u32 v62, v5;
	[tilespmem:$0x730] =	vst v1  }
0x74: {  	v3 =	vor.u32 v24, v23;
	v5 =	vand.u32 $0xFFFFC, v28;
	v0 =	vor.u32 v29, v27;
	[tilespmem:$0x720] =	vst v14  }
0x75: {  	v43 =	vld [tilespmem:$0x3E0];
	v35 =	vand.u32 $0xFFFFC, v33;
	v40 =	vshll.u32 v26, $0x2;
	v42 =	vshrl.u32 v26, $0x12;
	[tilespmem:$0x750] =	vst v3  }
0x76: {  	v31 =	vld [tilespmem:$0x3B0];
	v49 =	vshll.u32 v34, $0x2;
	v52 =	vshll.u32 v38, $0x2;
	v32 =	vor.u32 v30, v5;
	[tilespmem:$0x760] =	vst v0  }
0x77: {  	v46 =	vld [tilespmem:$0x3F0];
	v53 =	vshrl.u32 v34, $0x12;
	v54 =	vshrl.u32 v38, $0x12;
	v2 =	vor.u32 v36, v35;
	[tilespmem:$0x770] =	vst v32  }
0x78: {  	v4 =	vand.u32 $0xFFFFC, v40;
	v0 =	vor.u32 v41, v39;
	v51 =	vand.u32 $0xFFFFC, v49;
	[tilespmem:$0x780] =	vst v2  }
0x79: {  	v3 =	vand.u32 $0xFFFFC, v52;
	v44 =	vor.u32 v42, v4;
	[tilespmem:$0x790] =	vst v0;
	v55 =	vor.u32 v53, v51  }
0x7a: {  	v56 =	vor.u32 v54, v3;
	v57 =	vshll.u32 v43, $0x2;
	v59 =	vshrl.u32 v43, $0x12;
	[tilespmem:$0x7A0] =	vst v44  }
0x7b: {  	v45 =	vshll.u32 v31, $0x2;
	v48 =	vshrl.u32 v31, $0x12;
	[tilespmem:$0x7C0] =	vst v55;
	v58 =	vand.u32 $0xFFFFC, v57  }
0x7c: {  	v60 =	vshll.u32 v46, $0x2;
	[tilespmem:$0x7D0] =	vst v56;
	v47 =	vand.u32 $0xFFFFC, v45;
	v0 =	vor.u32 v59, v58  }
0x7d: {  	v62 =	vshrl.u32 v46, $0x12;
	v61 =	vand.u32 $0xFFFFC, v60;
	v50 =	vor.u32 v48, v47;
	[tilespmem:$0x7E0] =	vst v0  }
0x7e: {  	v63 =	vor.u32 v62, v61;
	[tilespmem:$0x7B0] =	vst v50  }
0x7f: {  	s30 =	rddreg [dreg:$0x6];
	[tilespmem:$0x7F0] =	vst v63  }
0x80: {  	[tilespmem:s7], [sflag:$0x1] =	stream.indirect.gather [hbm4b:s3+s6], $0x20, s30, s6, $0xb8;
	[tilespmem:$0x8800] =	vst v63  }
0x81: {  	_ = 	snop  }
0x82: {  	[tilespmem:s9], [sflag:$0x1] =	stream.indirect.gather [hbm4b:s3+s6], $0x20, s8, s6, $0xb8;
	[tilespmem:$0x8800] =	vst v63  }
0x83: {  	_ = 	snop  }
0x84: {  	[tilespmem:s11], [sflag:$0x1] =	stream.indirect.gather [hbm4b:s3+s6], $0x20, s10, s6, $0xb8;
	[tilespmem:$0x8800] =	vst v63  }
0x85: {  	_ = 	snop  }
0x86: {  	[tilespmem:s13], [sflag:$0x1] =	stream.indirect.gather [hbm4b:s3+s6], $0x20, s12, s6, $0xb8;
	[tilespmem:$0x8800] =	vst v63  }
0x87: {  	_ = 	snop  }
0x88: {  	[tilespmem:s15], [sflag:$0x1] =	stream.indirect.gather [hbm4b:s3+s6], $0x20, s14, s6, $0xb8;
	[tilespmem:$0x8800] =	vst v63  }
0x89: {  	_ = 	snop  }
0x8a: {  	[tilespmem:s17], [sflag:$0x1] =	stream.indirect.gather [hbm4b:s3+s6], $0x20, s16, s6, $0xb8;
	[tilespmem:$0x8800] =	vst v63  }
0x8b: {  	_ = 	snop  }
0x8c: {  	[tilespmem:s19], [sflag:$0x1] =	stream.indirect.gather [hbm4b:s3+s6], $0x20, s18, s6, $0xb8;
	[tilespmem:$0x8800] =	vst v63  }
0x8d: {  	_ = 	snop  }
0x8e: {  	[tilespmem:s21], [sflag:$0x1] =	stream.indirect.gather [hbm4b:s3+s6], $0x20, s20, s6, $0xb8;
	[tilespmem:$0x8800] =	vst v63  }
0x8f: {  	_ =	swait.ge [sflag:s22], $0x1000  }
0x90: {  	[sflag:s22] =	ssyncset.done $0x0  }
0x91: {  	[sflag:s22] =	ssyncadd.s32 $0xFFFFF000  }
0x92: {  	_ =	swait.ge [sflag:s22], $0x1000  }
0x93: {  	[sflag:s22] =	ssyncset.done $0x0  }
0x94: {  	[sflag:s22] =	ssyncadd.s32 $0xFFFFF000  }
0x95: {  	_ =	swait.ge [sflag:s22], $0x1000  }
0x96: {  	[sflag:s22] =	ssyncset.done $0x0  }
0x97: {  	[sflag:s22] =	ssyncadd.s32 $0xFFFFF000  }
0x98: {  	_ =	swait.ge [sflag:s22], $0x1000  }
0x99: {  	[sflag:s22] =	ssyncset.done $0x0  }
0x9a: {  	[sflag:s22] =	ssyncadd.s32 $0xFFFFF000  }
0x9b: {  	_ =	swait.ge [sflag:s22], $0x1000  }
0x9c: {  	[sflag:s22] =	ssyncset.done $0x0  }
0x9d: {  	[sflag:s22] =	ssyncadd.s32 $0xFFFFF000  }
0x9e: {  	_ =	swait.ge [sflag:s22], $0x1000  }
0x9f: {  	[sflag:s22] =	ssyncset.done $0x0  }
0xa0: {  	[sflag:s22] =	ssyncadd.s32 $0xFFFFF000  }
0xa1: {  	_ =	swait.ge [sflag:s22], $0x1000  }
0xa2: {  	[sflag:s22] =	ssyncset.done $0x0  }
0xa3: {  	[sflag:s22] =	ssyncadd.s32 $0xFFFFF000  }
0xa4: {  	_ =	swait.ge [sflag:s22], $0x1000  }
0xa5: {  	p0 =	sne.s32 s24, $0x18;
	s26 =	sshll.u32 s26, $0xC;
	s31 =	rddreg [dreg:$0x4]  }
0xa6: {  	s25 =	sshll.u32 s25, $0xE;
	[sflag:s22] =	ssyncset.done $0x0;
	s26 =	sadd.s32 s31, s26  }
.Ltmp0:
0xa7: {  	[sflag:s22] =	ssyncadd.s32 $0xFFFFF000;
	s25 =	sadd.s32 s25, s26;
	(pc) =	sbr.rel @p0 .LBB2_2-.Ltmp0, $4  }
0xa8: {  	[hbm4b:s25+s2] =	stream.linear.scatter [tilespmem:s7], [sflag:$0x2], $0x8000, $0x38;
	[tilespmem:$0x8800] =	vst v63  }
0xa9: {  	_ =	swait.ge [sflag:s5], $0x8000  }
0xaa: {  	[sflag:s5] =	ssyncset.done $0x0  }
0xab: {  	s24 =	sadd.s32 $0x1, s24;
	[sflag:s5] =	ssyncadd.s32 $0xFFFF8000  }
0xac: {  	s23 =	sadd.s32 $0x1, s23  }
0xad: {  	p0 =	sne.s32 s23, s4  }
.Ltmp1:
0xae: {  	_ = 	snop;
	(pc) =	sbr.rel @p0 .LBB2_1-.Ltmp1, $1  }
0xaf: {  	_ =	sdelay $0x3  }
0xb0: {  	_ =	sfence.sel $0x180000  }
0xb1: {  	[bflag:$0x0] =	sbarrier.arrive $0xFFFF  }
0xb2: {  	p0 =	sne.s32 s1, $0x0;
	_ =	strace $0x90000047  }
0xb3: {  	s0 =	sadd.s32 @!p0 $0x100000, s0;
	[bflag:$0x2] =	sbarrier.arrive $0xFFFF  }
0xb4: {  	[sflag:s0] =	ssyncadd.tile.s32 @!p0 $0x1;
	_ =	shalt  }
.Lfunc_end2:
_tile_overlayer_lowered:
.L_overlay_start_2:
0xb5: {  	(tag) =	ssettag $0x2  }
0xb6: {  	s0 =	rddreg [dreg:$0x0];
	s2 =	stileid.u32  }
0xb7: {  	s1 =	rddreg [dreg:$0x1];
	p0 =	sne.s32 s2, $0x0  }
0xb8: {  	s3 =	rddreg [dreg:$0x2];
	[bflag:$0x3] =	sbarrier.arrive $0xFFFF;
	s2 =	simm.s32 @!p0 $0x1C02  }
0xb9: {  	[timem:s3], [sflag:s2] =	dma.local @!p0 [hbm:s0], s1  }
0xba: {  	s0 =	simm.s32 @!p0 $0x2  }
0xbb: {  	_ =	swait.ge @!p0 [sflag:s0], s1  }
0xbc: {  	s1 =	ssub.s32 @!p0 $0x0, s1;
	[sflag:s0] =	ssyncset.done @!p0 $0x0  }
0xbd: {  	[sflag:s0] =	ssyncadd.s32 @!p0 s1  }
0xbe: {  	[bflag:$0x3] =	sbarrier.arrive $0xFFFF  }
0xbf: {  	_ =	shalt  }

// kernel: sparse-core-data-format-call.cloned.1.call-start
scs
called_computation_lowered:
.L_overlay_start_0:
0x0: {  	s2 =	sld [smem:$0x3FD9]  }
0x1: {  	s3 =	sld [smem:$0x3FFE];
	_ =	sdelay $0x1  }
0x2: {  	s1 =	srdreg.scid  }
0x3: {  	s0 =	sand.u32 $0x1, s1  }
0x4: {  	s15 =	sshll.u32 s0, $0xA;
	s2 =	sadd.s32 s3, s2  }
0x5: {  	s2 =	sadd.s32 s2, s15  }
0x6: {  	[smem:$0x3FC6] =	sst s2  }
0x7: {  	_ = 	snop  }
0x8: {  	s2 =	sld [smem:$0x3FD0];
	_ =	sdelay $0x2  }
0x9: {  	s16 =	simm.s32 $0xA;
	s4 =	simm.s32 $0x10  }
0xa: {  	[smem:s4], [sflag:s16] =	dma.local [hbm:s2], $0x1  }
0xb: {  	_ =	swait.eq [sflag:s16], $0x1  }
0xc: {  	[sflag:s16] =	ssyncset.done $0x0  }
0xd: {  	[sflag:s16] =	ssyncadd.s32 $0xFFFFFFFF  }
0xe: {  	s17 =	sld [smem:$0x10];
	(tm) =	ssettm $0x1  }
0xf: {  	s18 =	sld [smem:$0x3FFB];
	_ =	sdelay $0x3  }
0x10: {  	_ =	strace s18  }
0x11: {  	s3 =	sld [smem:$0x3FFC];
	_ =	sdelay $0x3  }
0x12: {  	_ =	strace s3  }
0x13: {  	s3 =	sld [smem:$0x3FFD];
	_ =	sdelay $0x3  }
0x14: {  	_ =	strace s3  }
0x15: {  	_ =	strace $0x8FFFFFFF  }
0x16: {  	s19 =	sld [smem:$0x3FDB];
	_ =	sdelay $0x1  }
0x17: {  	s20 =	simm.s32 $_scs_section_size  }
0x18: {  	s5 =	simm.s32 $_size__tile_overlayer_lowered;
	s6 =	simm.s32 $_tile_overlayer_lowered  }
0x19: {  	s23 =	simm.s32 $0x1BFF;
	s22 =	sshll.u32 s6, $0x1;
	s3 =	sadd.s32 s20, s19  }
0x1a: {  	s7 =	simm.s32 $0x0;
	s21 =	sshll.u32 s5, $0x1;
	s5 =	sadd.s32 s22, s3  }
0x1b: {  	[timem:s7], [sflag:s23] =	dma.local [hbm:s5], s21  }
0x1c: {  	_ =	swait.ge [sflag:s23], s21  }
0x1d: {  	s4 =	ssub.s32 $0x0, s21;
	[sflag:s23] =	ssyncset.done $0x0  }
0x1e: {  	[sflag:s23] =	ssyncadd.s32 s4;
	_ =	sdelay $0x1  }
0x1f: {  	s24 =	simm.s32 $0x1B8B  }
0x20: {  	_ =	swait.ge [sflag:s24], $0x1  }
0x21: {  	[sflag:s24] =	ssyncset.done $0x0  }
0x22: {  	s26 =	simm.s32 $0x1B8E;
	s25 =	sld [smem:$0x3FFE];
	[sflag:s24] =	ssyncadd.s32 $0xFFFFFFFF  }
0x23: {  	s27 =	simm.s32 $execute0_lowered;
	[smem:$0x3FD2] =	sst s26  }
0x24: {  	s5 =	sshll.u32 s27, $0x1;
	_ =	strace $0x80000049;
	[dreg:$0x1] =	wrdreg $0xFFFFFFFF  }
0x25: {  	s28 =	simm.s32 $_size_execute0_lowered;
	s3 =	sadd.s32 s3, s5;
	[dreg:$0x0] =	wrdreg $0x0  }
0x26: {  	s5 =	sshll.u32 s28, $0x1;
	[dreg:$0x2] =	wrdreg s3  }
0x27: {  	[dreg:$0x3] =	wrdreg s5  }
0x28: {  	[dreg:$0x4] =	wrdreg $0xC0  }
0x29: {  	_ =	task [dreg:s7], $0x5FFFF  }
0x2a: {  	[dreg:$0x1] =	wrdreg $0xFFFFFFFF  }
0x2b: {  	[dreg:$0x0] =	wrdreg $0x60  }
0x2c: {  	[dreg:$0x2] =	wrdreg s25  }
0x2d: {  	[dreg:$0x3] =	wrdreg s17  }
0x2e: {  	[dreg:$0x4] =	wrdreg $0x9  }
0x2f: {  	_ =	task.clear_ibuf [dreg:s7], $0x5FFFF;
	_ =	strace $0x90000049  }
0x30: {  	s29 =	simm.s32 $0x9;
	_ =	strace $0x8000004B  }
0x31: {  	_ =	swait.ge [sflag:s29], $0x1  }
0x32: {  	[sflag:s29] =	ssyncadd.s32 $0xFFFFFFFF  }
0x33: {  	_ =	strace $0x9000004B  }
0x34: {  	_ =	sfence  }
0x35: {  	s30 =	sld [smem:$0x0];
	_ =	sdelay $0x2  }
0x36: {  	s31 =	sshll.u32 s1, $0xD;
	s1 =	sshrl.u32 s1, $0x2  }
0x37: {  	s3 =	sand.u32 $0x4000, s31;
	s1 =	sadd.s32 s1, s30  }
0x38: {  	s0 =	sor.u32 s3, s0;
	s1 =	sshll.u32 s1, $0x11  }
0x39: {  	s0 =	sor.u32 s1, s0  }
0x3a: {  	s0 =	sadd.s32 $0x8F2B, s0  }
0x3b: {  	[sflag:s0] =	ssyncadd.remote.s32 $0x1  }
0x3c: {  	_ =	sfence.sel $0xFFFF  }
0x3d: {  	[dreg:$0x0] =	wrdreg $0xFFFFFFFF;
	(pc) =	sbr.abs _section_cstart, $3  }
0x3e: {  	[dreg:$0x1] =	wrdreg $0xFFFFFFFF  }
0x3f: {  	_ =	task.clear_ibuf [dreg:s7], $0x2FFFF;
	_ =	strace $0x9FFFFFFF  }
0x40: {  	(tm) =	ssettm $0x7FFFFFFF  }
0x41: {  	_ =	shalt  }
tec
execute0_lowered:
.L_overlay_start_1:
0x0: {  	(tag) =	ssettag $0x1  }
0x1: {  	s0 =	srdreg.scid;
	s5 =	rddreg [dreg:$0x0]  }
0x2: {  	s2 =	rddreg [dreg:$0x1];
	s1 =	sshll.u32 s0, $0x4  }
0x3: {  	s9 =	simm.s32 $0x2;
	s0 =	stileid.u32;
	s1 =	sand.u32 $0x10, s1  }
0x4: {  	s15 =	simm.s32 $0x0;
	s11 =	simm.s32 $0x400;
	s4 =	sor.u32 s0, s1  }
0x5: {  	s12 =	simm.s32 $0x8000;
	s16 =	simm.s32 $0x0;
	s3 =	sshll.u32 s4, $0x7  }
0x6: {  	s13 =	simm.s32 $0x0;
	s1 =	rddreg [dreg:$0x2];
	s6 =	ssub.s32 $0x1000, s3  }
0x7: {  	_ =	strace $0x8000004A;
	s8 =	sshll.u32 s4, $0xB;
	s7 =	sand.u32 $0xF80, s6  }
0x8: {  	s4 =	simm.s32 $0x1;
	p0 =	sne.s32 s7, $0x0;
	s7 =	simm.s32 $0x1  }
.Ltmp0:
0x9: {  	s6 =	sshrl.u32 s6, $0xC;
	s7 =	simm.s32 @!p0 $0x0;
	(pc) =	sbr.rel .LBB1_1-.Ltmp0, $4  }
0xa: {  	s14 =	simm.s32 $0x0;
	[sflag:s4] =	ssyncpa.u1 $0x0;
	s6 =	sadd.s32 s7, s6  }
0xb: {  	s10 =	sadd.s32 s8, s5;
	[sflag:s9] =	ssyncpa.u1 $0x0;
	s5 =	smul.u32 $0x32, s6  }
0xc: {  	s8 =	sadd.s32 $0x20C00, s10;
	s9 =	sadd.s32 $0x30C00, s10;
	p0 =	por $0x0, $0x0  }
0xd: {  	s7 =	sadd.s32 $0x10C00, s10;
	s6 =	sadd.s32 $0xC00, s10;
	s10 =	sor.u32 $0x1, s5  }
.LBB1_7:
0xe: {  	s17 =	sadd.s32 $0x4, s13  }
0xf: {  	p2 =	sgt.s32 s17, $0xC7  }
0x10: {  	s17 =	simm.s32 @p2 $0x0;
	p2 =	sne.s32 s14, s10  }
.Ltmp1:
0x11: {  	p1 =	slt.u32 s14, $0x2;
	(pc) =	sbr.rel @!p2 .LBB1_8-.Ltmp1, $4  }
0x12: {  	s15 =	simm.s32 @!p1 $0x2  }
0x13: {  	s18 =	sadd.s32 $0x1, s14;
	s16 =	smov.u32 s13;
	_ =	swait.ge @!p1 [sflag:s15], $0x4000  }
0x14: {  	p0 =	por !p0, !p0;
	s14 =	smov.u32 s18;
	[sflag:s15] =	ssyncset.done @!p1 $0x0  }
0x15: {  	s13 =	smov.u32 s17;
	[sflag:s15] =	ssyncadd.s32 @!p1 $0xFFFFC000;
	s15 =	smov.u32 s3  }
.LBB1_1:
0x16: {  	p1 =	sge.u32 s14, s5  }
0x17: {  	s17 =	sxor.u32 @!p1 $0xFFFFFFFF, s14  }
0x18: {  	s18 =	sshll.u32 @!p1 s13, $0x10;
	s20 =	simm.s32 @!p1 $0x20;
	s17 =	sshll.u32 @!p1 s17, $0xE  }
0x19: {  	s21 =	simm.s32 @!p1 $0x80;
	s19 =	sadd.s32 @!p1 s18, s6;
	s17 =	sand.u32 @!p1 $0x4000, s17  }
0x1a: {  	[tilespmem:s17], [sflag:$0x1] =	stream.strided.gather @!p1 [hbm4b:s19+s20], $0x1000, s21, s20, $0x38;
	[tilespmem:$0x10100] =	vst v63  }
0x1b: {  	s19 =	sadd.s32 @!p1 s18, s7;
	s22 =	sor.u32 @!p1 $0x1000, s17  }
0x1c: {  	[tilespmem:s22], [sflag:$0x1] =	stream.strided.gather @!p1 [hbm4b:s19+s20], $0x1000, s21, s20, $0x38;
	[tilespmem:$0x10100] =	vst v63  }
0x1d: {  	s19 =	sadd.s32 @!p1 s18, s8;
	s22 =	sor.u32 @!p1 $0x2000, s17  }
0x1e: {  	[tilespmem:s22], [sflag:$0x1] =	stream.strided.gather @!p1 [hbm4b:s19+s20], $0x1000, s21, s20, $0x38;
	[tilespmem:$0x10100] =	vst v63  }
0x1f: {  	s31 =	sadd.s32 $0xFFFFFFFF, s14;
	s18 =	sadd.s32 @!p1 s18, s9;
	s17 =	sor.u32 @!p1 $0x3000, s17  }
0x20: {  	[tilespmem:s17], [sflag:$0x1] =	stream.strided.gather @!p1 [hbm4b:s18+s20], $0x1000, s21, s20, $0x38;
	[tilespmem:$0x10100] =	vst v63  }
0x21: {  	p1 =	sge.u32 s31, s5  }
.Ltmp2:
0x22: {  	_ = 	snop;
	(pc) =	sbr.rel @p1 .LBB1_7-.Ltmp2, $1  }
0x23: {  	_ =	sdelay $0x3  }
0x24: {  	s18 =	simm.s32 $0x1;
	s19 =	sand.u32 $0x1, s14  }
0x25: {  	_ =	swait.ge [sflag:s4], $0x4000;
	s18 =	simm.s32 @!p0 $0x0;
	s20 =	smul.u32 $0x10200, s19  }
0x26: {  	[sflag:s4] =	ssyncset.done $0x0;
	s17 =	smul.u32 $0x10200, s18  }
0x27: {  	s18 =	sshll.u32 s18, $0xE;
	[sflag:s4] =	ssyncadd.s32 $0xFFFFC000  }
0x28: {  	s19 =	sor.u32 $0x10, s18;
	s31 =	sshrl.u32 s20, $0x2;
	s17 =	sshrl.u32 s17, $0x2  }
0x29: {  	s20 =	simm.s32 $0x0;
	s18 =	sor.u32 $0x8000, s31;
	s17 =	sor.u32 $0x8000, s17  }
.LBB1_3:
0x2a: {  	v1 =	vld [tilespmem:s19+$0x0]  }
0x2b: {  	v0 =	vld [tilespmem:s19+$0xFFFFFFF0];
	_ =	sdelay $0x2  }
0x2c: {  	s23 =	sadd.s32 $0x0, s17  }
0x2d: {  	s21 =	simm.s32 $0x4;
	s22 =	sadd.s32 $0x20, s19;
	[tilespmem:s23+$0x810 ss:$0x81] =	vst.msk $0xffff, v1  }
.LBB1_4:
0x2e: {  	v1 =	vld [tilespmem:s22+$0x0];
	p1 =	sne.s32 s21, $0x1FC;
	[tilespmem:s23+$0x0 ss:$0x81] =	vst.msk $0xffff, v0;
	s23 =	smov.u32 s21;
	s21 =	sadd.s32 $0x4, s21  }
.Ltmp3:
0x2f: {  	v0 =	vld [tilespmem:s22+$0xFFFFFFF0];
	(pc) =	sbr.rel @p1 .LBB1_4-.Ltmp3, $4  }
0x30: {  	_ = 	snop  }
0x31: {  	s23 =	sshra.s32 s23, $0x2  }
0x32: {  	s23 =	sadd.s32 s23, s17  }
0x33: {  	s22 =	sadd.s32 $0x20, s22;
	[tilespmem:s23+$0x810 ss:$0x81] =	vst.msk $0xffff, v1  }
0x34: {  	s20 =	sadd.s32 $0x1, s20  }
0x35: {  	p1 =	sne.s32 s20, $0x4  }
.Ltmp4:
0x36: {  	_ = 	snop;
	(pc) =	sbr.rel @p1 .LBB1_3-.Ltmp4, $2  }
0x37: {  	_ =	sdelay $0x2  }
0x38: {  	[tilespmem:s23+$0x0 ss:$0x81] =	vst.msk $0xffff, v0;
	s17 =	sadd.s32 $0x1020, s17;
	s19 =	sadd.s32 $0x1000, s19  }
.Ltmp5:
0x39: {  	(pc) =	sbr.rel .LBB1_7-.Ltmp5, $4  }
0x3a: {  	s16 =	sshll.u32 s16, $0xE  }
0x3b: {  	s16 =	sadd.s32 s2, s16  }
0x3c: {  	s15 =	sadd.s32 s15, s16  }
0x3d: {  	[hbm4b:s15+s11] =	stream.strided.scatter [tilespmem:s18], [sflag:$0x2], $0x4000, s12, s11, $0x20;
	[tilespmem:$0x10100] =	vst v63  }
.LBB1_8:
0x3e: {  	_ =	sfence.sel $0x180000  }
0x3f: {  	s2 =	simm.s32 $0x1;
	[bflag:$0x0] =	sbarrier.arrive $0xFFFF  }
0x40: {  	s31 =	simm.s32 $0x2;
	[sflag:s2] =	ssyncpa.u1 $0x1  }
0x41: {  	[sflag:s31] =	ssyncpa.u1 $0x1  }
0x42: {  	p0 =	sne.s32 s0, $0x0;
	_ =	strace $0x9000004A  }
0x43: {  	s0 =	sadd.s32 @!p0 $0x100000, s1;
	[bflag:$0x2] =	sbarrier.arrive $0xFFFF  }
0x44: {  	[sflag:s0] =	ssyncadd.tile.s32 @!p0 $0x1;
	_ =	shalt  }
.Lfunc_end1:
_tile_overlayer_lowered:
.L_overlay_start_2:
0x45: {  	(tag) =	ssettag $0x2  }
0x46: {  	s0 =	rddreg [dreg:$0x0];
	s2 =	stileid.u32  }
0x47: {  	s1 =	rddreg [dreg:$0x1];
	p0 =	sne.s32 s2, $0x0  }
0x48: {  	s3 =	rddreg [dreg:$0x2];
	[bflag:$0x3] =	sbarrier.arrive $0xFFFF;
	s2 =	simm.s32 @!p0 $0x1C01  }
0x49: {  	[timem:s3], [sflag:s2] =	dma.local @!p0 [hbm:s0], s1  }
0x4a: {  	s0 =	simm.s32 @!p0 $0x1  }
0x4b: {  	_ =	swait.ge @!p0 [sflag:s0], s1  }
0x4c: {  	s1 =	ssub.s32 @!p0 $0x0, s1;
	[sflag:s0] =	ssyncset.done @!p0 $0x0  }
0x4d: {  	[sflag:s0] =	ssyncadd.s32 @!p0 s1  }
0x4e: {  	[bflag:$0x3] =	sbarrier.arrive $0xFFFF  }
0x4f: {  	_ =	shalt  }

</sc_bundles>
